<compile_context>
chip_gen: v7x
topology: tpu7x:2x2x1
jax: 0.10.2.dev20260603
libtpu: 0.0.44.dev20260713+nightly
codegen_flags: <defaults>
</compile_context>

<pallas_src>
import jax
import jax.numpy as jnp
from jax import lax
from jax.experimental import pallas as pl
from jax.experimental.pallas import tpu as pltpu
from jax.experimental.pallas import tpu_sc as plsc

N = 10000
F = 128
H = 16
E = 320000

NC, NS = 2, 16
NP = 10240
SLAB = NP // NS

CH = 625
GRP = 4
CPT = 32
NG = CPT // GRP
ROWS2D = E // CH


def _rsqrt16(d):
  i = plsc.bitcast(d, jnp.int32)
  y = plsc.bitcast(jnp.int32(0x5F3759DF) - (i >> 1), jnp.float32)
  for _ in range(3):
    y = y * (1.5 - 0.5 * d * y * y)
  return jnp.where(d > 0.5, y, 0.0)


def _splat(ref, i):
  return plsc.load_gather(ref, [jnp.full((16,), i, jnp.int32)])


def _sc_fused_body(ei3, xw10, xw11, zeros16, zeros1, ones1,
                   h_hbm, t_hbm,
                   ridx, cidx, rows, sb_x, sb_g, sb_deg, sb_dis, ones_v,
                   gsem, ssem, deg_acc, a_sp, g_acc):
  cid = lax.axis_index("c")
  sid = lax.axis_index("s")
  nsl = pl.ds(sid * SLAB, SLAB)
  ebase = sid * CPT

  pltpu.sync_copy(zeros1.at[nsl], deg_acc.at[nsl])
  pltpu.sync_copy(zeros16.at[nsl], g_acc.at[nsl])
  pltpu.sync_copy(ones1, ones_v)
  pltpu.sync_copy(ei3.at[0, pl.ds(ebase, CPT)], ridx)
  pltpu.sync_copy(ei3.at[1, pl.ds(ebase, CPT)], cidx)
  plsc.subcore_barrier()

  def deg_group(g, _):
    scs = [pltpu.async_copy(ones_v, deg_acc.at[ridx.at[g * GRP + b]],
                            ssem.at[b], add=True) for b in range(GRP)]
    for b in range(GRP):
      scs[b].wait()
    return 0
  lax.fori_loop(0, NG, deg_group, 0)
  plsc.subcore_barrier()

  pltpu.sync_copy(deg_acc.at[nsl], sb_deg)
  pltpu.sync_copy(xw11.at[nsl], sb_x)

  def dis_vec(i, _):
    sb_dis[pl.ds(i * 16, 16)] = _rsqrt16(sb_deg[pl.ds(i * 16, 16)])
    return 0
  lax.fori_loop(0, SLAB // 16, dis_vec, 0)

  def a1_row(i, _):
    sb_x[i] = _splat(sb_dis, i) * sb_x[i]
    return 0
  lax.fori_loop(0, SLAB, a1_row, 0)
  pltpu.sync_copy(sb_x, a_sp.at[nsl])
  plsc.subcore_barrier()

  def gs_group(g, _):
    gcs = [pltpu.async_copy(a_sp.at[ridx.at[g * GRP + b]],
                            rows.at[pl.ds(b * CH, CH)], gsem.at[b])
           for b in range(GRP)]
    scs = []
    for b in range(GRP):
      gcs[b].wait()
      scs.append(pltpu.async_copy(rows.at[pl.ds(b * CH, CH)],
                                  g_acc.at[cidx.at[g * GRP + b]],
                                  ssem.at[b], add=True))
    for b in range(GRP):
      scs[b].wait()
    return 0

  lax.fori_loop(0, NG, gs_group, 0)
  plsc.subcore_barrier()

  pltpu.sync_copy(g_acc.at[nsl], sb_g)
  pltpu.sync_copy(xw10.at[nsl], sb_x)

  def h_row(i, _):
    disv = _splat(sb_dis, i)
    hv = jnp.maximum(sb_x[i] - disv * sb_g[i], 0.0)
    sb_x[i] = hv
    sb_g[i] = disv * hv
    return 0
  lax.fori_loop(0, SLAB, h_row, 0)

  pltpu.sync_copy(zeros16.at[nsl], g_acc.at[nsl])
  pltpu.sync_copy(sb_g, a_sp.at[nsl])
  @pl.when(sid // (NS // NC) == cid)
  def _():
    pltpu.sync_copy(sb_x, h_hbm.at[nsl])
  plsc.subcore_barrier()

  lax.fori_loop(0, NG, gs_group, 0)
  plsc.subcore_barrier()

  pltpu.sync_copy(g_acc.at[nsl], sb_g)

  def t_row(i, _):
    sb_g[i] = -(_splat(sb_dis, i) * sb_g[i])
    return 0
  lax.fori_loop(0, SLAB, t_row, 0)

  @pl.when(sid // (NS // NC) == cid)
  def _():
    pltpu.sync_copy(sb_g, t_hbm.at[nsl])


_sc_fused = pl.kernel(
    _sc_fused_body,
    out_type=(jax.ShapeDtypeStruct((NP, H), jnp.float32),
              jax.ShapeDtypeStruct((NP, H), jnp.float32)),
    mesh=plsc.VectorSubcoreMesh(core_axis_name="c", subcore_axis_name="s",
                                num_cores=NC, num_subcores=NS),
    scratch_types=[
        pltpu.VMEM((CPT, CH), jnp.int32),
        pltpu.VMEM((CPT, CH), jnp.int32),
        pltpu.VMEM((GRP * CH, H), jnp.float32),
        pltpu.VMEM((SLAB, H), jnp.float32),
        pltpu.VMEM((SLAB, H), jnp.float32),
        pltpu.VMEM((SLAB,), jnp.float32),
        pltpu.VMEM((SLAB,), jnp.float32),
        pltpu.VMEM((CH,), jnp.float32),
        pltpu.SemaphoreType.DMA((GRP,)),
        pltpu.SemaphoreType.DMA((GRP,)),
        pltpu.VMEM_SHARED((NP,), jnp.float32),
        pltpu.VMEM_SHARED((NP, H), jnp.float32),
        pltpu.VMEM_SHARED((NP, H), jnp.float32),
    ],
    compiler_params=pltpu.CompilerParams(use_tc_tiling_on_sc=False,
                                         needs_layout_passes=False),
)


def _tc_a(x_ref, w0_ref, w1_ref, b1_ref, xw10_ref, xw11_ref):
  x = x_ref[...]
  xw10_ref[:N, :] = jnp.dot(x, w0_ref[...],
                            preferred_element_type=jnp.float32) + b1_ref[...]
  xw11_ref[:N, :] = jnp.dot(x, w1_ref[...], preferred_element_type=jnp.float32)
  zt = jnp.zeros((NP - N, H), jnp.float32)
  xw10_ref[N:, :] = zt
  xw11_ref[N:, :] = zt


def _tc_d(h_ref, t_ref, w20_ref, w21_ref, b2_ref, out_ref):
  h = h_ref[:N, :]
  t = t_ref[:N, :]
  o = (jnp.dot(h, w20_ref[...], preferred_element_type=jnp.float32)
       + jnp.dot(t, w21_ref[...], preferred_element_type=jnp.float32)
       + b2_ref[...])
  m = jnp.max(o, axis=1, keepdims=True)
  s = jnp.sum(jnp.exp(o - m), axis=1, keepdims=True)
  out_ref[...] = (o - m) - jnp.log(s)


def kernel(x, edge_index, W1_0, W1_1, b1, W2_0, W2_1, b2):
  ei3 = edge_index.reshape(2, ROWS2D, CH)

  xw10, xw11 = pl.pallas_call(
      _tc_a,
      out_shape=(jax.ShapeDtypeStruct((NP, H), jnp.float32),
                 jax.ShapeDtypeStruct((NP, H), jnp.float32)),
  )(x, W1_0, W1_1, b1.reshape(1, H))

  h, t = _sc_fused(ei3, xw10, xw11,
                   jnp.zeros((NP, H), jnp.float32),
                   jnp.zeros((NP,), jnp.float32),
                   jnp.ones((CH,), jnp.float32))

  return pl.pallas_call(
      _tc_d,
      out_shape=jax.ShapeDtypeStruct((N, F), jnp.float32),
  )(h, t, W2_0, W2_1, b2.reshape(1, F))

# --- scband reference (transcript-rebuilt; emitter-appended) ---
"""Pipeline reference for scband-net-67542655697471 (READ-ONLY COPY).

The authoritative reference and input builder live on the scoring server;
editing this copy changes nothing except your own understanding.
"""

import jax, jax.numpy as jnp
import numpy as np


def _cheb_norm(edge_index, num_nodes):
    # PyG ChebConv norm with normalization='sym', lambda_max=2.0:
    # L = I - D^-1/2 A D^-1/2 ; L_hat = (2/lambda_max) L - I = -D^-1/2 A D^-1/2
    # (diagonal entries cancel: 1 + (-1) = 0), so only off-diagonal weights remain.
    row, col = edge_index[0], edge_index[1]
    ones = jnp.ones(row.shape[0], dtype=jnp.float32)
    deg = jax.ops.segment_sum(ones, row, num_segments=num_nodes)
    deg_inv_sqrt = jnp.where(deg > 0, 1.0 / jnp.sqrt(deg), 0.0)
    w = -deg_inv_sqrt[row] * deg_inv_sqrt[col]
    return w


def _cheb_conv_k2(x, edge_index, w, W0, W1, b, num_nodes):
    # ChebConv with K=2: out = Tx_0 @ W0 + Tx_1 @ W1 + b
    # Tx_0 = x ; Tx_1 = L_hat x  (gather from src, scale by norm, scatter-add to dst)
    row, col = edge_index[0], edge_index[1]
    Tx0 = x
    msgs = w[:, None] * x[row]                      # gather + scale
    Tx1 = jax.ops.segment_sum(msgs, col, num_segments=num_nodes)  # scatter-add
    return Tx0 @ W0 + Tx1 @ W1 + b


def setup_inputs(seed: int = 0) -> dict:
    key = jax.random.key(seed)
    ks = jax.random.split(key, 10)
    N, F, H, E = 10000, 128, 16, 320000
    x = jax.random.normal(ks[0], (N, F), dtype=jnp.float32)
    edge_index = jax.random.randint(ks[1], (2, E), 0, N, dtype=jnp.int32)
    s1 = 1.0 / np.sqrt(F)
    s2 = 1.0 / np.sqrt(H)
    W1_0 = jax.random.uniform(ks[2], (F, H), jnp.float32, -s1, s1)
    W1_1 = jax.random.uniform(ks[3], (F, H), jnp.float32, -s1, s1)
    b1 = jnp.zeros((H,), dtype=jnp.float32)
    W2_0 = jax.random.uniform(ks[4], (H, F), jnp.float32, -s2, s2)
    W2_1 = jax.random.uniform(ks[5], (H, F), jnp.float32, -s2, s2)
    b2 = jnp.zeros((F,), dtype=jnp.float32)
    return {"x": x, "edge_index": edge_index, "W1_0": W1_0, "W1_1": W1_1,
            "b1": b1, "W2_0": W2_0, "W2_1": W2_1, "b2": b2}


def reference(x, edge_index, W1_0, W1_1, b1, W2_0, W2_1, b2):
    N = x.shape[0]
    w = _cheb_norm(edge_index, N)
    h = jax.nn.relu(_cheb_conv_k2(x, edge_index, w, W1_0, W1_1, b1, N))
    # F.dropout with training=False is identity (eval mode)
    out = _cheb_conv_k2(h, edge_index, w, W2_0, W2_1, b2, N)
    return jax.nn.log_softmax(out, axis=1)

if __name__ == "__main__":
    import jax
    _d = setup_inputs()
    print(jax.jit(kernel)(*tuple(_d.values())))

</pallas_src>

<mosaic_0001>
#map = affine_map<(d0, d1) -> (0, 0, 0)>
#map1 = affine_map<(d0, d1) -> (0, 0)>
#map2 = affine_map<(d0, d1) -> (0)>
module attributes {stable_mosaic.version = 14 : i64} {
  func.func @_sc_fused_body(%arg0: i32, %arg1: i32, %arg2: memref<2x512x625xi32, #tpu.memory_space<hbm>>, %arg3: memref<10240x16xf32, #tpu.memory_space<hbm>>, %arg4: memref<10240x16xf32, #tpu.memory_space<hbm>>, %arg5: memref<10240x16xf32, #tpu.memory_space<hbm>>, %arg6: memref<10240xf32, #tpu.memory_space<hbm>>, %arg7: memref<625xf32, #tpu.memory_space<hbm>>, %arg8: memref<10240x16xf32, #tpu.memory_space<hbm>>, %arg9: memref<10240x16xf32, #tpu.memory_space<hbm>>, %arg10: memref<32x625xi32, #tpu.memory_space<vmem>>, %arg11: memref<32x625xi32, #tpu.memory_space<vmem>>, %arg12: memref<2500x16xf32, #tpu.memory_space<vmem>>, %arg13: memref<640x16xf32, #tpu.memory_space<vmem>>, %arg14: memref<640x16xf32, #tpu.memory_space<vmem>>, %arg15: memref<640xf32, #tpu.memory_space<vmem>>, %arg16: memref<640xf32, #tpu.memory_space<vmem>>, %arg17: memref<625xf32, #tpu.memory_space<vmem>>, %arg18: memref<4x!tpu.dma_semaphore, #tpu.memory_space<semaphore_mem>>, %arg19: memref<4x!tpu.dma_semaphore, #tpu.memory_space<semaphore_mem>>, %arg20: memref<10240xf32, #tpu.memory_space<vmem_shared>>, %arg21: memref<10240x16xf32, #tpu.memory_space<vmem_shared>>, %arg22: memref<10240x16xf32, #tpu.memory_space<vmem_shared>>) attributes {dimension_semantics = [#tpu.dimension_semantics<core_parallel>, #tpu.dimension_semantics<subcore_parallel>], iteration_bounds = array<i64: 2, 16>, scalar_prefetch = 0 : i64, scratch_operands = 13 : i64, tpu.core_type = #tpu.core_type<sc_vector_subcore>, window_params = [{transform_indices = #map}, {transform_indices = #map1}, {transform_indices = #map1}, {transform_indices = #map1}, {transform_indices = #map2}, {transform_indices = #map2}, {transform_indices = #map1}, {transform_indices = #map1}]} {
    %mul3A = arith.constant 640 : i32
    %mul3A_0 = arith.muli %arg1, %mul3A : i32
    %mul3A_1 = arith.constant 32 : i32
    %mul3A_2 = arith.muli %arg1, %mul3A_1 : i32
    "tpu.region"() ({
      %run_scoped3A_102 = tpu.sem_alloc : memref<!tpu.dma_semaphore, #tpu.memory_space<semaphore_mem>>
      %dma_start3A = tpu.memref_slice %arg20[%mul3A_0] : memref<10240xf32, #tpu.memory_space<vmem_shared>> -> memref<640xf32, #tpu.memory_space<vmem_shared>>
      %dma_start3A_103 = tpu.memref_slice %arg6[%mul3A_0] : memref<10240xf32, #tpu.memory_space<hbm>> -> memref<640xf32, #tpu.memory_space<hbm>>
      tpu.enqueue_dma source(%dma_start3A_103 : memref<640xf32, #tpu.memory_space<hbm>>) target(%dma_start3A : memref<640xf32, #tpu.memory_space<vmem_shared>>) target_semaphore(%run_scoped3A_102 : memref<!tpu.dma_semaphore, #tpu.memory_space<semaphore_mem>>)
      %dma_wait3A = tpu.memref_slice %arg20[%mul3A_0] : memref<10240xf32, #tpu.memory_space<vmem_shared>> -> memref<640xf32, #tpu.memory_space<vmem_shared>>
      %dma_wait3A_104 = tpu.memref_slice %arg6[%mul3A_0] : memref<10240xf32, #tpu.memory_space<hbm>> -> memref<640xf32, #tpu.memory_space<hbm>>
      tpu.wait_dma2 semaphore(%run_scoped3A_102 : memref<!tpu.dma_semaphore, #tpu.memory_space<semaphore_mem>>) src(%dma_wait3A_104 : memref<640xf32, #tpu.memory_space<hbm>>) dst(%dma_wait3A : memref<640xf32, #tpu.memory_space<vmem_shared>>)
      tpu.yield
    }) : () -> ()
    "tpu.region"() ({
      %run_scoped3A_102 = tpu.sem_alloc : memref<!tpu.dma_semaphore, #tpu.memory_space<semaphore_mem>>
      %dma_start3A = arith.constant 0 : i32
      %dma_start3A_103 = tpu.memref_slice %arg22[%mul3A_0, %dma_start3A] : memref<10240x16xf32, #tpu.memory_space<vmem_shared>> -> memref<640x16xf32, #tpu.memory_space<vmem_shared>>
      %dma_start3A_104 = arith.constant 0 : i32
      %dma_start3A_105 = tpu.memref_slice %arg5[%mul3A_0, %dma_start3A_104] : memref<10240x16xf32, #tpu.memory_space<hbm>> -> memref<640x16xf32, #tpu.memory_space<hbm>>
      tpu.enqueue_dma source(%dma_start3A_105 : memref<640x16xf32, #tpu.memory_space<hbm>>) target(%dma_start3A_103 : memref<640x16xf32, #tpu.memory_space<vmem_shared>>) target_semaphore(%run_scoped3A_102 : memref<!tpu.dma_semaphore, #tpu.memory_space<semaphore_mem>>)
      %dma_wait3A = arith.constant 0 : i32
      %dma_wait3A_106 = tpu.memref_slice %arg22[%mul3A_0, %dma_wait3A] : memref<10240x16xf32, #tpu.memory_space<vmem_shared>> -> memref<640x16xf32, #tpu.memory_space<vmem_shared>>
      %dma_wait3A_107 = arith.constant 0 : i32
      %dma_wait3A_108 = tpu.memref_slice %arg5[%mul3A_0, %dma_wait3A_107] : memref<10240x16xf32, #tpu.memory_space<hbm>> -> memref<640x16xf32, #tpu.memory_space<hbm>>
      tpu.wait_dma2 semaphore(%run_scoped3A_102 : memref<!tpu.dma_semaphore, #tpu.memory_space<semaphore_mem>>) src(%dma_wait3A_108 : memref<640x16xf32, #tpu.memory_space<hbm>>) dst(%dma_wait3A_106 : memref<640x16xf32, #tpu.memory_space<vmem_shared>>)
      tpu.yield
    }) : () -> ()
    "tpu.region"() ({
      %run_scoped3A_102 = tpu.sem_alloc : memref<!tpu.dma_semaphore, #tpu.memory_space<semaphore_mem>>
      tpu.enqueue_dma source(%arg7 : memref<625xf32, #tpu.memory_space<hbm>>) target(%arg17 : memref<625xf32, #tpu.memory_space<vmem>>) target_semaphore(%run_scoped3A_102 : memref<!tpu.dma_semaphore, #tpu.memory_space<semaphore_mem>>)
      tpu.wait_dma2 semaphore(%run_scoped3A_102 : memref<!tpu.dma_semaphore, #tpu.memory_space<semaphore_mem>>) src(%arg7 : memref<625xf32, #tpu.memory_space<hbm>>) dst(%arg17 : memref<625xf32, #tpu.memory_space<vmem>>)
      tpu.yield
    }) : () -> ()
    %run_scoped3A = arith.constant 0 : i32
    "tpu.region"() ({
      %run_scoped3A_102 = tpu.sem_alloc : memref<!tpu.dma_semaphore, #tpu.memory_space<semaphore_mem>>
      %dma_start3A = arith.constant 0 : i32
      %dma_start3A_103 = tpu.memref_slice %arg2[%run_scoped3A, %mul3A_2, %dma_start3A] : memref<2x512x625xi32, #tpu.memory_space<hbm>> -> memref<1x32x625xi32, #tpu.memory_space<hbm>>
      %dma_start3A_104 = tpu.memref_squeeze %dma_start3A_103 : memref<1x32x625xi32, #tpu.memory_space<hbm>> -> memref<32x625xi32, #tpu.memory_space<hbm>>
      %dma_start3A_105 = arith.constant 0 : i32
      %dma_start3A_106 = tpu.memref_slice %arg2[%run_scoped3A, %mul3A_2, %dma_start3A_105] : memref<2x512x625xi32, #tpu.memory_space<hbm>> -> memref<1x32x625xi32, #tpu.memory_space<hbm>>
      %dma_start3A_107 = tpu.memref_squeeze %dma_start3A_106 : memref<1x32x625xi32, #tpu.memory_space<hbm>> -> memref<32x625xi32, #tpu.memory_space<hbm>>
      tpu.enqueue_dma source(%dma_start3A_107 : memref<32x625xi32, #tpu.memory_space<hbm>>) target(%arg10 : memref<32x625xi32, #tpu.memory_space<vmem>>) target_semaphore(%run_scoped3A_102 : memref<!tpu.dma_semaphore, #tpu.memory_space<semaphore_mem>>)
      %dma_wait3A = arith.constant 0 : i32
      %dma_wait3A_108 = tpu.memref_slice %arg2[%run_scoped3A, %mul3A_2, %dma_wait3A] : memref<2x512x625xi32, #tpu.memory_space<hbm>> -> memref<1x32x625xi32, #tpu.memory_space<hbm>>
      %dma_wait3A_109 = tpu.memref_squeeze %dma_wait3A_108 : memref<1x32x625xi32, #tpu.memory_space<hbm>> -> memref<32x625xi32, #tpu.memory_space<hbm>>
      %dma_wait3A_110 = arith.constant 0 : i32
      %dma_wait3A_111 = tpu.memref_slice %arg2[%run_scoped3A, %mul3A_2, %dma_wait3A_110] : memref<2x512x625xi32, #tpu.memory_space<hbm>> -> memref<1x32x625xi32, #tpu.memory_space<hbm>>
      %dma_wait3A_112 = tpu.memref_squeeze %dma_wait3A_111 : memref<1x32x625xi32, #tpu.memory_space<hbm>> -> memref<32x625xi32, #tpu.memory_space<hbm>>
      tpu.wait_dma2 semaphore(%run_scoped3A_102 : memref<!tpu.dma_semaphore, #tpu.memory_space<semaphore_mem>>) src(%dma_wait3A_112 : memref<32x625xi32, #tpu.memory_space<hbm>>) dst(%arg10 : memref<32x625xi32, #tpu.memory_space<vmem>>)
      tpu.yield
    }) : () -> ()
    %run_scoped3A_3 = arith.constant 1 : i32
    "tpu.region"() ({
      %run_scoped3A_102 = tpu.sem_alloc : memref<!tpu.dma_semaphore, #tpu.memory_space<semaphore_mem>>
      %dma_start3A = arith.constant 0 : i32
      %dma_start3A_103 = tpu.memref_slice %arg2[%run_scoped3A_3, %mul3A_2, %dma_start3A] : memref<2x512x625xi32, #tpu.memory_space<hbm>> -> memref<1x32x625xi32, #tpu.memory_space<hbm>>
      %dma_start3A_104 = tpu.memref_squeeze %dma_start3A_103 : memref<1x32x625xi32, #tpu.memory_space<hbm>> -> memref<32x625xi32, #tpu.memory_space<hbm>>
      %dma_start3A_105 = arith.constant 0 : i32
      %dma_start3A_106 = tpu.memref_slice %arg2[%run_scoped3A_3, %mul3A_2, %dma_start3A_105] : memref<2x512x625xi32, #tpu.memory_space<hbm>> -> memref<1x32x625xi32, #tpu.memory_space<hbm>>
      %dma_start3A_107 = tpu.memref_squeeze %dma_start3A_106 : memref<1x32x625xi32, #tpu.memory_space<hbm>> -> memref<32x625xi32, #tpu.memory_space<hbm>>
      tpu.enqueue_dma source(%dma_start3A_107 : memref<32x625xi32, #tpu.memory_space<hbm>>) target(%arg11 : memref<32x625xi32, #tpu.memory_space<vmem>>) target_semaphore(%run_scoped3A_102 : memref<!tpu.dma_semaphore, #tpu.memory_space<semaphore_mem>>)
      %dma_wait3A = arith.constant 0 : i32
      %dma_wait3A_108 = tpu.memref_slice %arg2[%run_scoped3A_3, %mul3A_2, %dma_wait3A] : memref<2x512x625xi32, #tpu.memory_space<hbm>> -> memref<1x32x625xi32, #tpu.memory_space<hbm>>
      %dma_wait3A_109 = tpu.memref_squeeze %dma_wait3A_108 : memref<1x32x625xi32, #tpu.memory_space<hbm>> -> memref<32x625xi32, #tpu.memory_space<hbm>>
      %dma_wait3A_110 = arith.constant 0 : i32
      %dma_wait3A_111 = tpu.memref_slice %arg2[%run_scoped3A_3, %mul3A_2, %dma_wait3A_110] : memref<2x512x625xi32, #tpu.memory_space<hbm>> -> memref<1x32x625xi32, #tpu.memory_space<hbm>>
      %dma_wait3A_112 = tpu.memref_squeeze %dma_wait3A_111 : memref<1x32x625xi32, #tpu.memory_space<hbm>> -> memref<32x625xi32, #tpu.memory_space<hbm>>
      tpu.wait_dma2 semaphore(%run_scoped3A_102 : memref<!tpu.dma_semaphore, #tpu.memory_space<semaphore_mem>>) src(%dma_wait3A_112 : memref<32x625xi32, #tpu.memory_space<hbm>>) dst(%arg11 : memref<32x625xi32, #tpu.memory_space<vmem>>)
      tpu.yield
    }) : () -> ()
    %barrier3A = arith.constant 0 : index
    tpu.barrier barrier_id(%barrier3A)
    %scan3A = arith.constant 0 : i32
    %scan3A_4 = arith.constant 0 : i32
    %scan3A_5 = arith.constant 8 : i32
    %scan3A_6 = arith.addi %scan3A_4, %scan3A_5 : i32
    %scan3A_7 = arith.constant 1 : i32
    %scan3A_8 = scf.for %scan3A_102 = %scan3A_4 to %scan3A_6 step %scan3A_7 iter_args(%scan3A_103 = %scan3A) -> (i32)  : i32 {
      %mul3A_104 = arith.constant 4 : i32
      %mul3A_105 = arith.muli %scan3A_102, %mul3A_104 : i32
      %add3A = arith.constant 0 : i32
      %add3A_106 = arith.addi %mul3A_105, %add3A : i32
      %dma_start3A = arith.constant 0 : i32
      %dma_start3A_107 = arith.constant 0 : i32
      %dma_start3A_108 = tpu.memref_slice %arg10[%add3A_106, %dma_start3A_107] : memref<32x625xi32, #tpu.memory_space<vmem>> -> memref<1x625xi32, #tpu.memory_space<vmem>>
      %dma_start3A_109 = tpu.memref_squeeze %dma_start3A_108 : memref<1x625xi32, #tpu.memory_space<vmem>> -> memref<625xi32, #tpu.memory_space<vmem>>
      %dma_start3A_110 = arith.constant 0 : i32
      %dma_start3A_111 = tpu.memref_slice %arg20[%dma_start3A_110] : memref<10240xf32, #tpu.memory_space<vmem_shared>> -> memref<10240xf32, #tpu.memory_space<vmem_shared>>
      %dma_start3A_112 = tpu.memref_slice %arg19[%dma_start3A] : memref<4x!tpu.dma_semaphore, #tpu.memory_space<semaphore_mem>> -> memref<1x!tpu.dma_semaphore, #tpu.memory_space<semaphore_mem>>
      %dma_start3A_113 = tpu.memref_squeeze %dma_start3A_112 : memref<1x!tpu.dma_semaphore, #tpu.memory_space<semaphore_mem>> -> memref<!tpu.dma_semaphore, #tpu.memory_space<semaphore_mem>>
      tpu.enqueue_indirect_dma source(%arg17 : memref<625xf32, #tpu.memory_space<vmem>>) target(%dma_start3A_111 : memref<10240xf32, #tpu.memory_space<vmem_shared>>) offsets(%dma_start3A_109 : memref<625xi32, #tpu.memory_space<vmem>>) semaphore(%dma_start3A_113 : memref<!tpu.dma_semaphore, #tpu.memory_space<semaphore_mem>>) {add = true}
      %mul3A_114 = arith.constant 4 : i32
      %mul3A_115 = arith.muli %scan3A_102, %mul3A_114 : i32
      %add3A_116 = arith.constant 1 : i32
      %add3A_117 = arith.addi %mul3A_115, %add3A_116 : i32
      %dma_start3A_118 = arith.constant 1 : i32
      %dma_start3A_119 = arith.constant 0 : i32
      %dma_start3A_120 = tpu.memref_slice %arg10[%add3A_117, %dma_start3A_119] : memref<32x625xi32, #tpu.memory_space<vmem>> -> memref<1x625xi32, #tpu.memory_space<vmem>>
      %dma_start3A_121 = tpu.memref_squeeze %dma_start3A_120 : memref<1x625xi32, #tpu.memory_space<vmem>> -> memref<625xi32, #tpu.memory_space<vmem>>
      %dma_start3A_122 = arith.constant 0 : i32
      %dma_start3A_123 = tpu.memref_slice %arg20[%dma_start3A_122] : memref<10240xf32, #tpu.memory_space<vmem_shared>> -> memref<10240xf32, #tpu.memory_space<vmem_shared>>
      %dma_start3A_124 = tpu.memref_slice %arg19[%dma_start3A_118] : memref<4x!tpu.dma_semaphore, #tpu.memory_space<semaphore_mem>> -> memref<1x!tpu.dma_semaphore, #tpu.memory_space<semaphore_mem>>
      %dma_start3A_125 = tpu.memref_squeeze %dma_start3A_124 : memref<1x!tpu.dma_semaphore, #tpu.memory_space<semaphore_mem>> -> memref<!tpu.dma_semaphore, #tpu.memory_space<semaphore_mem>>
      tpu.enqueue_indirect_dma source(%arg17 : memref<625xf32, #tpu.memory_space<vmem>>) target(%dma_start3A_123 : memref<10240xf32, #tpu.memory_space<vmem_shared>>) offsets(%dma_start3A_121 : memref<625xi32, #tpu.memory_space<vmem>>) semaphore(%dma_start3A_125 : memref<!tpu.dma_semaphore, #tpu.memory_space<semaphore_mem>>) {add = true}
      %mul3A_126 = arith.constant 4 : i32
      %mul3A_127 = arith.muli %scan3A_102, %mul3A_126 : i32
      %add3A_128 = arith.constant 2 : i32
      %add3A_129 = arith.addi %mul3A_127, %add3A_128 : i32
      %dma_start3A_130 = arith.constant 2 : i32
      %dma_start3A_131 = arith.constant 0 : i32
      %dma_start3A_132 = tpu.memref_slice %arg10[%add3A_129, %dma_start3A_131] : memref<32x625xi32, #tpu.memory_space<vmem>> -> memref<1x625xi32, #tpu.memory_space<vmem>>
      %dma_start3A_133 = tpu.memref_squeeze %dma_start3A_132 : memref<1x625xi32, #tpu.memory_space<vmem>> -> memref<625xi32, #tpu.memory_space<vmem>>
      %dma_start3A_134 = arith.constant 0 : i32
      %dma_start3A_135 = tpu.memref_slice %arg20[%dma_start3A_134] : memref<10240xf32, #tpu.memory_space<vmem_shared>> -> memref<10240xf32, #tpu.memory_space<vmem_shared>>
      %dma_start3A_136 = tpu.memref_slice %arg19[%dma_start3A_130] : memref<4x!tpu.dma_semaphore, #tpu.memory_space<semaphore_mem>> -> memref<1x!tpu.dma_semaphore, #tpu.memory_space<semaphore_mem>>
      %dma_start3A_137 = tpu.memref_squeeze %dma_start3A_136 : memref<1x!tpu.dma_semaphore, #tpu.memory_space<semaphore_mem>> -> memref<!tpu.dma_semaphore, #tpu.memory_space<semaphore_mem>>
      tpu.enqueue_indirect_dma source(%arg17 : memref<625xf32, #tpu.memory_space<vmem>>) target(%dma_start3A_135 : memref<10240xf32, #tpu.memory_space<vmem_shared>>) offsets(%dma_start3A_133 : memref<625xi32, #tpu.memory_space<vmem>>) semaphore(%dma_start3A_137 : memref<!tpu.dma_semaphore, #tpu.memory_space<semaphore_mem>>) {add = true}
      %mul3A_138 = arith.constant 4 : i32
      %mul3A_139 = arith.muli %scan3A_102, %mul3A_138 : i32
      %add3A_140 = arith.constant 3 : i32
      %add3A_141 = arith.addi %mul3A_139, %add3A_140 : i32
      %dma_start3A_142 = arith.constant 3 : i32
      %dma_start3A_143 = arith.constant 0 : i32
      %dma_start3A_144 = tpu.memref_slice %arg10[%add3A_141, %dma_start3A_143] : memref<32x625xi32, #tpu.memory_space<vmem>> -> memref<1x625xi32, #tpu.memory_space<vmem>>
      %dma_start3A_145 = tpu.memref_squeeze %dma_start3A_144 : memref<1x625xi32, #tpu.memory_space<vmem>> -> memref<625xi32, #tpu.memory_space<vmem>>
      %dma_start3A_146 = arith.constant 0 : i32
      %dma_start3A_147 = tpu.memref_slice %arg20[%dma_start3A_146] : memref<10240xf32, #tpu.memory_space<vmem_shared>> -> memref<10240xf32, #tpu.memory_space<vmem_shared>>
      %dma_start3A_148 = tpu.memref_slice %arg19[%dma_start3A_142] : memref<4x!tpu.dma_semaphore, #tpu.memory_space<semaphore_mem>> -> memref<1x!tpu.dma_semaphore, #tpu.memory_space<semaphore_mem>>
      %dma_start3A_149 = tpu.memref_squeeze %dma_start3A_148 : memref<1x!tpu.dma_semaphore, #tpu.memory_space<semaphore_mem>> -> memref<!tpu.dma_semaphore, #tpu.memory_space<semaphore_mem>>
      tpu.enqueue_indirect_dma source(%arg17 : memref<625xf32, #tpu.memory_space<vmem>>) target(%dma_start3A_147 : memref<10240xf32, #tpu.memory_space<vmem_shared>>) offsets(%dma_start3A_145 : memref<625xi32, #tpu.memory_space<vmem>>) semaphore(%dma_start3A_149 : memref<!tpu.dma_semaphore, #tpu.memory_space<semaphore_mem>>) {add = true}
      %dma_wait3A = arith.constant 0 : i32
      %dma_wait3A_150 = arith.constant 0 : i32
      %dma_wait3A_151 = tpu.memref_slice %arg10[%add3A_106, %dma_wait3A_150] : memref<32x625xi32, #tpu.memory_space<vmem>> -> memref<1x625xi32, #tpu.memory_space<vmem>>
      %dma_wait3A_152 = tpu.memref_squeeze %dma_wait3A_151 : memref<1x625xi32, #tpu.memory_space<vmem>> -> memref<625xi32, #tpu.memory_space<vmem>>
      %dma_wait3A_153 = arith.constant 0 : i32
      %dma_wait3A_154 = tpu.memref_slice %arg20[%dma_wait3A_153] : memref<10240xf32, #tpu.memory_space<vmem_shared>> -> memref<10240xf32, #tpu.memory_space<vmem_shared>>
      %dma_wait3A_155 = tpu.memref_slice %arg19[%dma_wait3A] : memref<4x!tpu.dma_semaphore, #tpu.memory_space<semaphore_mem>> -> memref<1x!tpu.dma_semaphore, #tpu.memory_space<semaphore_mem>>
      %dma_wait3A_156 = tpu.memref_squeeze %dma_wait3A_155 : memref<1x!tpu.dma_semaphore, #tpu.memory_space<semaphore_mem>> -> memref<!tpu.dma_semaphore, #tpu.memory_space<semaphore_mem>>
      tpu.wait_indirect_dma semaphore(%dma_wait3A_156 : memref<!tpu.dma_semaphore, #tpu.memory_space<semaphore_mem>>) src(%arg17 : memref<625xf32, #tpu.memory_space<vmem>>) dst(%dma_wait3A_154 : memref<10240xf32, #tpu.memory_space<vmem_shared>>)
      %dma_wait3A_157 = arith.constant 1 : i32
      %dma_wait3A_158 = arith.constant 0 : i32
      %dma_wait3A_159 = tpu.memref_slice %arg10[%add3A_117, %dma_wait3A_158] : memref<32x625xi32, #tpu.memory_space<vmem>> -> memref<1x625xi32, #tpu.memory_space<vmem>>
      %dma_wait3A_160 = tpu.memref_squeeze %dma_wait3A_159 : memref<1x625xi32, #tpu.memory_space<vmem>> -> memref<625xi32, #tpu.memory_space<vmem>>
      %dma_wait3A_161 = arith.constant 0 : i32
      %dma_wait3A_162 = tpu.memref_slice %arg20[%dma_wait3A_161] : memref<10240xf32, #tpu.memory_space<vmem_shared>> -> memref<10240xf32, #tpu.memory_space<vmem_shared>>
      %dma_wait3A_163 = tpu.memref_slice %arg19[%dma_wait3A_157] : memref<4x!tpu.dma_semaphore, #tpu.memory_space<semaphore_mem>> -> memref<1x!tpu.dma_semaphore, #tpu.memory_space<semaphore_mem>>
      %dma_wait3A_164 = tpu.memref_squeeze %dma_wait3A_163 : memref<1x!tpu.dma_semaphore, #tpu.memory_space<semaphore_mem>> -> memref<!tpu.dma_semaphore, #tpu.memory_space<semaphore_mem>>
      tpu.wait_indirect_dma semaphore(%dma_wait3A_164 : memref<!tpu.dma_semaphore, #tpu.memory_space<semaphore_mem>>) src(%arg17 : memref<625xf32, #tpu.memory_space<vmem>>) dst(%dma_wait3A_162 : memref<10240xf32, #tpu.memory_space<vmem_shared>>)
      %dma_wait3A_165 = arith.constant 2 : i32
      %dma_wait3A_166 = arith.constant 0 : i32
      %dma_wait3A_167 = tpu.memref_slice %arg10[%add3A_129, %dma_wait3A_166] : memref<32x625xi32, #tpu.memory_space<vmem>> -> memref<1x625xi32, #tpu.memory_space<vmem>>
      %dma_wait3A_168 = tpu.memref_squeeze %dma_wait3A_167 : memref<1x625xi32, #tpu.memory_space<vmem>> -> memref<625xi32, #tpu.memory_space<vmem>>
      %dma_wait3A_169 = arith.constant 0 : i32
      %dma_wait3A_170 = tpu.memref_slice %arg20[%dma_wait3A_169] : memref<10240xf32, #tpu.memory_space<vmem_shared>> -> memref<10240xf32, #tpu.memory_space<vmem_shared>>
      %dma_wait3A_171 = tpu.memref_slice %arg19[%dma_wait3A_165] : memref<4x!tpu.dma_semaphore, #tpu.memory_space<semaphore_mem>> -> memref<1x!tpu.dma_semaphore, #tpu.memory_space<semaphore_mem>>
      %dma_wait3A_172 = tpu.memref_squeeze %dma_wait3A_171 : memref<1x!tpu.dma_semaphore, #tpu.memory_space<semaphore_mem>> -> memref<!tpu.dma_semaphore, #tpu.memory_space<semaphore_mem>>
      tpu.wait_indirect_dma semaphore(%dma_wait3A_172 : memref<!tpu.dma_semaphore, #tpu.memory_space<semaphore_mem>>) src(%arg17 : memref<625xf32, #tpu.memory_space<vmem>>) dst(%dma_wait3A_170 : memref<10240xf32, #tpu.memory_space<vmem_shared>>)
      %dma_wait3A_173 = arith.constant 3 : i32
      %dma_wait3A_174 = arith.constant 0 : i32
      %dma_wait3A_175 = tpu.memref_slice %arg10[%add3A_141, %dma_wait3A_174] : memref<32x625xi32, #tpu.memory_space<vmem>> -> memref<1x625xi32, #tpu.memory_space<vmem>>
      %dma_wait3A_176 = tpu.memref_squeeze %dma_wait3A_175 : memref<1x625xi32, #tpu.memory_space<vmem>> -> memref<625xi32, #tpu.memory_space<vmem>>
      %dma_wait3A_177 = arith.constant 0 : i32
      %dma_wait3A_178 = tpu.memref_slice %arg20[%dma_wait3A_177] : memref<10240xf32, #tpu.memory_space<vmem_shared>> -> memref<10240xf32, #tpu.memory_space<vmem_shared>>
      %dma_wait3A_179 = tpu.memref_slice %arg19[%dma_wait3A_173] : memref<4x!tpu.dma_semaphore, #tpu.memory_space<semaphore_mem>> -> memref<1x!tpu.dma_semaphore, #tpu.memory_space<semaphore_mem>>
      %dma_wait3A_180 = tpu.memref_squeeze %dma_wait3A_179 : memref<1x!tpu.dma_semaphore, #tpu.memory_space<semaphore_mem>> -> memref<!tpu.dma_semaphore, #tpu.memory_space<semaphore_mem>>
      tpu.wait_indirect_dma semaphore(%dma_wait3A_180 : memref<!tpu.dma_semaphore, #tpu.memory_space<semaphore_mem>>) src(%arg17 : memref<625xf32, #tpu.memory_space<vmem>>) dst(%dma_wait3A_178 : memref<10240xf32, #tpu.memory_space<vmem_shared>>)
      %scan3A_181 = arith.constant 0 : i32
      scf.yield %scan3A_181 : i32
    }
    %scan3A_9 = arith.constant 8 : i32
    %barrier3A_10 = arith.constant 0 : index
    tpu.barrier barrier_id(%barrier3A_10)
    "tpu.region"() ({
      %run_scoped3A_102 = tpu.sem_alloc : memref<!tpu.dma_semaphore, #tpu.memory_space<semaphore_mem>>
      %dma_start3A = tpu.memref_slice %arg20[%mul3A_0] : memref<10240xf32, #tpu.memory_space<vmem_shared>> -> memref<640xf32, #tpu.memory_space<vmem_shared>>
      %dma_start3A_103 = tpu.memref_slice %arg20[%mul3A_0] : memref<10240xf32, #tpu.memory_space<vmem_shared>> -> memref<640xf32, #tpu.memory_space<vmem_shared>>
      tpu.enqueue_dma source(%dma_start3A_103 : memref<640xf32, #tpu.memory_space<vmem_shared>>) target(%arg15 : memref<640xf32, #tpu.memory_space<vmem>>) target_semaphore(%run_scoped3A_102 : memref<!tpu.dma_semaphore, #tpu.memory_space<semaphore_mem>>)
      %dma_wait3A = tpu.memref_slice %arg20[%mul3A_0] : memref<10240xf32, #tpu.memory_space<vmem_shared>> -> memref<640xf32, #tpu.memory_space<vmem_shared>>
      %dma_wait3A_104 = tpu.memref_slice %arg20[%mul3A_0] : memref<10240xf32, #tpu.memory_space<vmem_shared>> -> memref<640xf32, #tpu.memory_space<vmem_shared>>
      tpu.wait_dma2 semaphore(%run_scoped3A_102 : memref<!tpu.dma_semaphore, #tpu.memory_space<semaphore_mem>>) src(%dma_wait3A_104 : memref<640xf32, #tpu.memory_space<vmem_shared>>) dst(%arg15 : memref<640xf32, #tpu.memory_space<vmem>>)
      tpu.yield
    }) : () -> ()
    "tpu.region"() ({
      %run_scoped3A_102 = tpu.sem_alloc : memref<!tpu.dma_semaphore, #tpu.memory_space<semaphore_mem>>
      %dma_start3A = arith.constant 0 : i32
      %dma_start3A_103 = tpu.memref_slice %arg4[%mul3A_0, %dma_start3A] : memref<10240x16xf32, #tpu.memory_space<hbm>> -> memref<640x16xf32, #tpu.memory_space<hbm>>
      %dma_start3A_104 = arith.constant 0 : i32
      %dma_start3A_105 = tpu.memref_slice %arg4[%mul3A_0, %dma_start3A_104] : memref<10240x16xf32, #tpu.memory_space<hbm>> -> memref<640x16xf32, #tpu.memory_space<hbm>>
      tpu.enqueue_dma source(%dma_start3A_105 : memref<640x16xf32, #tpu.memory_space<hbm>>) target(%arg13 : memref<640x16xf32, #tpu.memory_space<vmem>>) target_semaphore(%run_scoped3A_102 : memref<!tpu.dma_semaphore, #tpu.memory_space<semaphore_mem>>)
      %dma_wait3A = arith.constant 0 : i32
      %dma_wait3A_106 = tpu.memref_slice %arg4[%mul3A_0, %dma_wait3A] : memref<10240x16xf32, #tpu.memory_space<hbm>> -> memref<640x16xf32, #tpu.memory_space<hbm>>
      %dma_wait3A_107 = arith.constant 0 : i32
      %dma_wait3A_108 = tpu.memref_slice %arg4[%mul3A_0, %dma_wait3A_107] : memref<10240x16xf32, #tpu.memory_space<hbm>> -> memref<640x16xf32, #tpu.memory_space<hbm>>
      tpu.wait_dma2 semaphore(%run_scoped3A_102 : memref<!tpu.dma_semaphore, #tpu.memory_space<semaphore_mem>>) src(%dma_wait3A_108 : memref<640x16xf32, #tpu.memory_space<hbm>>) dst(%arg13 : memref<640x16xf32, #tpu.memory_space<vmem>>)
      tpu.yield
    }) : () -> ()
    %scan3A_11 = arith.constant 0 : i32
    %scan3A_12 = arith.constant 0 : i32
    %scan3A_13 = arith.constant 40 : i32
    %scan3A_14 = arith.addi %scan3A_12, %scan3A_13 : i32
    %scan3A_15 = arith.constant 1 : i32
    %scan3A_16 = scf.for %scan3A_102 = %scan3A_12 to %scan3A_14 step %scan3A_15 iter_args(%scan3A_103 = %scan3A_11) -> (i32)  : i32 {
      %mul3A_104 = arith.constant 16 : i32
      %mul3A_105 = arith.muli %scan3A_102, %mul3A_104 : i32
      %get3A = arith.index_cast %mul3A_105 : i32 to index
      %get3A_106 = tpu.vector_load %arg15[%get3A] {strides = array<i32>} : memref<640xf32, #tpu.memory_space<vmem>>, vector<16xf32>,
      %bitcast3A = vector.bitcast %get3A_106 : vector<16xf32> to vector<16xi32>
      %shift_right_arithmetic3A = arith.constant 1 : i32
      %shift_right_arithmetic3A_107 = vector.broadcast %shift_right_arithmetic3A : i32 to vector<16xi32>
      %shift_right_arithmetic3A_108 = arith.shrsi %bitcast3A, %shift_right_arithmetic3A_107 : vector<16xi32>
      %sub3A_109 = arith.constant 1597463007 : i32
      %sub3A_110 = vector.broadcast %sub3A_109 : i32 to vector<16xi32>
      %sub3A_111 = arith.subi %sub3A_110, %shift_right_arithmetic3A_108 : vector<16xi32>
      %bitcast3A_112 = vector.bitcast %sub3A_111 : vector<16xi32> to vector<16xf32>
      %mul3A_113 = arith.constant 5.000000e-01 : f32
      %mul3A_114 = vector.broadcast %mul3A_113 : f32 to vector<16xf32>
      %mul3A_115 = arith.mulf %mul3A_114, %get3A_106 : vector<16xf32>
      %mul3A_116 = arith.mulf %mul3A_115, %bitcast3A_112 : vector<16xf32>
      %mul3A_117 = arith.mulf %mul3A_116, %bitcast3A_112 : vector<16xf32>
      %sub3A_118 = arith.constant 1.500000e+00 : f32
      %sub3A_119 = vector.broadcast %sub3A_118 : f32 to vector<16xf32>
      %sub3A_120 = arith.subf %sub3A_119, %mul3A_117 : vector<16xf32>
      %mul3A_121 = arith.mulf %bitcast3A_112, %sub3A_120 : vector<16xf32>
      %mul3A_122 = arith.constant 5.000000e-01 : f32
      %mul3A_123 = vector.broadcast %mul3A_122 : f32 to vector<16xf32>
      %mul3A_124 = arith.mulf %mul3A_123, %get3A_106 : vector<16xf32>
      %mul3A_125 = arith.mulf %mul3A_124, %mul3A_121 : vector<16xf32>
      %mul3A_126 = arith.mulf %mul3A_125, %mul3A_121 : vector<16xf32>
      %sub3A_127 = arith.constant 1.500000e+00 : f32
      %sub3A_128 = vector.broadcast %sub3A_127 : f32 to vector<16xf32>
      %sub3A_129 = arith.subf %sub3A_128, %mul3A_126 : vector<16xf32>
      %mul3A_130 = arith.mulf %mul3A_121, %sub3A_129 : vector<16xf32>
      %mul3A_131 = arith.constant 5.000000e-01 : f32
      %mul3A_132 = vector.broadcast %mul3A_131 : f32 to vector<16xf32>
      %mul3A_133 = arith.mulf %mul3A_132, %get3A_106 : vector<16xf32>
      %mul3A_134 = arith.mulf %mul3A_133, %mul3A_130 : vector<16xf32>
      %mul3A_135 = arith.mulf %mul3A_134, %mul3A_130 : vector<16xf32>
      %sub3A_136 = arith.constant 1.500000e+00 : f32
      %sub3A_137 = vector.broadcast %sub3A_136 : f32 to vector<16xf32>
      %sub3A_138 = arith.subf %sub3A_137, %mul3A_135 : vector<16xf32>
      %mul3A_139 = arith.mulf %mul3A_130, %sub3A_138 : vector<16xf32>
      %gt3A = arith.constant 5.000000e-01 : f32
      %gt3A_140 = vector.broadcast %gt3A : f32 to vector<16xf32>
      %gt3A_141 = arith.cmpf ogt, %get3A_106, %gt3A_140 : vector<16xf32>
      %jit3A_142 = arith.constant 0.000000e+00 : f32
      %broadcast_in_dim3A = vector.broadcast %jit3A_142 : f32 to vector<16xf32>
      %select_n3A_143 = arith.select %gt3A_141, %mul3A_139, %broadcast_in_dim3A : vector<16xi1>, vector<16xf32>
      %mul3A_144 = arith.constant 16 : i32
      %mul3A_145 = arith.muli %scan3A_102, %mul3A_144 : i32
      %swap3A = arith.index_cast %mul3A_145 : i32 to index
      %swap3A_146 = tpu.vector_load %arg16[%swap3A] {strides = array<i32>} : memref<640xf32, #tpu.memory_space<vmem>>, vector<16xf32>,
      tpu.vector_store %arg16[%swap3A], %select_n3A_143 {strides = array<i32>} : memref<640xf32, #tpu.memory_space<vmem>>, vector<16xf32>,
      %scan3A_147 = arith.constant 0 : i32
      scf.yield %scan3A_147 : i32
    }
    %scan3A_17 = arith.constant 40 : i32
    %scan3A_18 = arith.constant 0 : i32
    %scan3A_19 = arith.constant 0 : i32
    %scan3A_20 = arith.constant 640 : i32
    %scan3A_21 = arith.addi %scan3A_19, %scan3A_20 : i32
    %scan3A_22 = arith.constant 1 : i32
    %scan3A_23 = scf.for %scan3A_102 = %scan3A_19 to %scan3A_21 step %scan3A_22 iter_args(%scan3A_103 = %scan3A_18) -> (i32)  : i32 {
      %broadcast_in_dim3A = vector.broadcast %scan3A_102 : i32 to vector<16xi32>
      %gather3A = tpu.vector_load_idx %arg16[%broadcast_in_dim3A] : memref<640xf32, #tpu.memory_space<vmem>>[vector<16xi32>], vector<16xf32>,
      %get3A = arith.index_cast %scan3A_102 : i32 to index
      %get3A_104 = arith.constant 0 : index
      %get3A_105 = tpu.vector_load %arg13[%get3A, %get3A_104] {strides = array<i32>} : memref<640x16xf32, #tpu.memory_space<vmem>>, vector<16xf32>,
      %mul3A_106 = arith.mulf %gather3A, %get3A_105 : vector<16xf32>
      %swap3A = arith.index_cast %scan3A_102 : i32 to index
      %swap3A_107 = arith.constant 0 : index
      %swap3A_108 = tpu.vector_load %arg13[%swap3A, %swap3A_107] {strides = array<i32>} : memref<640x16xf32, #tpu.memory_space<vmem>>, vector<16xf32>,
      tpu.vector_store %arg13[%swap3A, %swap3A_107], %mul3A_106 {strides = array<i32>} : memref<640x16xf32, #tpu.memory_space<vmem>>, vector<16xf32>,
      %scan3A_109 = arith.constant 0 : i32
      scf.yield %scan3A_109 : i32
    }
    %scan3A_24 = arith.constant 640 : i32
    "tpu.region"() ({
      %run_scoped3A_102 = tpu.sem_alloc : memref<!tpu.dma_semaphore, #tpu.memory_space<semaphore_mem>>
      %dma_start3A = arith.constant 0 : i32
      %dma_start3A_103 = tpu.memref_slice %arg21[%mul3A_0, %dma_start3A] : memref<10240x16xf32, #tpu.memory_space<vmem_shared>> -> memref<640x16xf32, #tpu.memory_space<vmem_shared>>
      %dma_start3A_104 = arith.constant 0 : i32
      %dma_start3A_105 = tpu.memref_slice %arg21[%mul3A_0, %dma_start3A_104] : memref<10240x16xf32, #tpu.memory_space<vmem_shared>> -> memref<640x16xf32, #tpu.memory_space<vmem_shared>>
      tpu.enqueue_dma source(%arg13 : memref<640x16xf32, #tpu.memory_space<vmem>>) target(%dma_start3A_105 : memref<640x16xf32, #tpu.memory_space<vmem_shared>>) target_semaphore(%run_scoped3A_102 : memref<!tpu.dma_semaphore, #tpu.memory_space<semaphore_mem>>)
      %dma_wait3A = arith.constant 0 : i32
      %dma_wait3A_106 = tpu.memref_slice %arg21[%mul3A_0, %dma_wait3A] : memref<10240x16xf32, #tpu.memory_space<vmem_shared>> -> memref<640x16xf32, #tpu.memory_space<vmem_shared>>
      %dma_wait3A_107 = arith.constant 0 : i32
      %dma_wait3A_108 = tpu.memref_slice %arg21[%mul3A_0, %dma_wait3A_107] : memref<10240x16xf32, #tpu.memory_space<vmem_shared>> -> memref<640x16xf32, #tpu.memory_space<vmem_shared>>
      tpu.wait_dma2 semaphore(%run_scoped3A_102 : memref<!tpu.dma_semaphore, #tpu.memory_space<semaphore_mem>>) src(%arg13 : memref<640x16xf32, #tpu.memory_space<vmem>>) dst(%dma_wait3A_108 : memref<640x16xf32, #tpu.memory_space<vmem_shared>>)
      tpu.yield
    }) : () -> ()
    %barrier3A_25 = arith.constant 0 : index
    tpu.barrier barrier_id(%barrier3A_25)
    %scan3A_26 = arith.constant 0 : i32
    %scan3A_27 = arith.constant 0 : i32
    %scan3A_28 = arith.constant 8 : i32
    %scan3A_29 = arith.addi %scan3A_27, %scan3A_28 : i32
    %scan3A_30 = arith.constant 1 : i32
    %scan3A_31 = scf.for %scan3A_102 = %scan3A_27 to %scan3A_29 step %scan3A_30 iter_args(%scan3A_103 = %scan3A_26) -> (i32)  : i32 {
      %mul3A_104 = arith.constant 4 : i32
      %mul3A_105 = arith.muli %scan3A_102, %mul3A_104 : i32
      %add3A = arith.constant 0 : i32
      %add3A_106 = arith.addi %mul3A_105, %add3A : i32
      %dma_start3A = arith.constant 0 : i32
      %dma_start3A_107 = arith.constant 0 : i32
      %dma_start3A_108 = arith.constant 0 : i32
      %dma_start3A_109 = tpu.memref_slice %arg12[%dma_start3A_107, %dma_start3A_108] : memref<2500x16xf32, #tpu.memory_space<vmem>> -> memref<625x16xf32, #tpu.memory_space<vmem>>
      %dma_start3A_110 = arith.constant 0 : i32
      %dma_start3A_111 = tpu.memref_slice %arg10[%add3A_106, %dma_start3A_110] : memref<32x625xi32, #tpu.memory_space<vmem>> -> memref<1x625xi32, #tpu.memory_space<vmem>>
      %dma_start3A_112 = tpu.memref_squeeze %dma_start3A_111 : memref<1x625xi32, #tpu.memory_space<vmem>> -> memref<625xi32, #tpu.memory_space<vmem>>
      %dma_start3A_113 = arith.constant 0 : i32
      %dma_start3A_114 = arith.constant 0 : i32
      %dma_start3A_115 = tpu.memref_slice %arg21[%dma_start3A_113, %dma_start3A_114] : memref<10240x16xf32, #tpu.memory_space<vmem_shared>> -> memref<10240x16xf32, #tpu.memory_space<vmem_shared>>
      %dma_start3A_116 = tpu.memref_slice %arg18[%dma_start3A] : memref<4x!tpu.dma_semaphore, #tpu.memory_space<semaphore_mem>> -> memref<1x!tpu.dma_semaphore, #tpu.memory_space<semaphore_mem>>
      %dma_start3A_117 = tpu.memref_squeeze %dma_start3A_116 : memref<1x!tpu.dma_semaphore, #tpu.memory_space<semaphore_mem>> -> memref<!tpu.dma_semaphore, #tpu.memory_space<semaphore_mem>>
      tpu.enqueue_indirect_dma source(%dma_start3A_115 : memref<10240x16xf32, #tpu.memory_space<vmem_shared>>) target(%dma_start3A_109 : memref<625x16xf32, #tpu.memory_space<vmem>>) offsets(%dma_start3A_112 : memref<625xi32, #tpu.memory_space<vmem>>) semaphore(%dma_start3A_117 : memref<!tpu.dma_semaphore, #tpu.memory_space<semaphore_mem>>)
      %mul3A_118 = arith.constant 4 : i32
      %mul3A_119 = arith.muli %scan3A_102, %mul3A_118 : i32
      %add3A_120 = arith.constant 1 : i32
      %add3A_121 = arith.addi %mul3A_119, %add3A_120 : i32
      %dma_start3A_122 = arith.constant 1 : i32
      %dma_start3A_123 = arith.constant 625 : i32
      %dma_start3A_124 = arith.constant 0 : i32
      %dma_start3A_125 = tpu.memref_slice %arg12[%dma_start3A_123, %dma_start3A_124] : memref<2500x16xf32, #tpu.memory_space<vmem>> -> memref<625x16xf32, #tpu.memory_space<vmem>>
      %dma_start3A_126 = arith.constant 0 : i32
      %dma_start3A_127 = tpu.memref_slice %arg10[%add3A_121, %dma_start3A_126] : memref<32x625xi32, #tpu.memory_space<vmem>> -> memref<1x625xi32, #tpu.memory_space<vmem>>
      %dma_start3A_128 = tpu.memref_squeeze %dma_start3A_127 : memref<1x625xi32, #tpu.memory_space<vmem>> -> memref<625xi32, #tpu.memory_space<vmem>>
      %dma_start3A_129 = arith.constant 0 : i32
      %dma_start3A_130 = arith.constant 0 : i32
      %dma_start3A_131 = tpu.memref_slice %arg21[%dma_start3A_129, %dma_start3A_130] : memref<10240x16xf32, #tpu.memory_space<vmem_shared>> -> memref<10240x16xf32, #tpu.memory_space<vmem_shared>>
      %dma_start3A_132 = tpu.memref_slice %arg18[%dma_start3A_122] : memref<4x!tpu.dma_semaphore, #tpu.memory_space<semaphore_mem>> -> memref<1x!tpu.dma_semaphore, #tpu.memory_space<semaphore_mem>>
      %dma_start3A_133 = tpu.memref_squeeze %dma_start3A_132 : memref<1x!tpu.dma_semaphore, #tpu.memory_space<semaphore_mem>> -> memref<!tpu.dma_semaphore, #tpu.memory_space<semaphore_mem>>
      tpu.enqueue_indirect_dma source(%dma_start3A_131 : memref<10240x16xf32, #tpu.memory_space<vmem_shared>>) target(%dma_start3A_125 : memref<625x16xf32, #tpu.memory_space<vmem>>) offsets(%dma_start3A_128 : memref<625xi32, #tpu.memory_space<vmem>>) semaphore(%dma_start3A_133 : memref<!tpu.dma_semaphore, #tpu.memory_space<semaphore_mem>>)
      %mul3A_134 = arith.constant 4 : i32
      %mul3A_135 = arith.muli %scan3A_102, %mul3A_134 : i32
      %add3A_136 = arith.constant 2 : i32
      %add3A_137 = arith.addi %mul3A_135, %add3A_136 : i32
      %dma_start3A_138 = arith.constant 2 : i32
      %dma_start3A_139 = arith.constant 1250 : i32
      %dma_start3A_140 = arith.constant 0 : i32
      %dma_start3A_141 = tpu.memref_slice %arg12[%dma_start3A_139, %dma_start3A_140] : memref<2500x16xf32, #tpu.memory_space<vmem>> -> memref<625x16xf32, #tpu.memory_space<vmem>>
      %dma_start3A_142 = arith.constant 0 : i32
      %dma_start3A_143 = tpu.memref_slice %arg10[%add3A_137, %dma_start3A_142] : memref<32x625xi32, #tpu.memory_space<vmem>> -> memref<1x625xi32, #tpu.memory_space<vmem>>
      %dma_start3A_144 = tpu.memref_squeeze %dma_start3A_143 : memref<1x625xi32, #tpu.memory_space<vmem>> -> memref<625xi32, #tpu.memory_space<vmem>>
      %dma_start3A_145 = arith.constant 0 : i32
      %dma_start3A_146 = arith.constant 0 : i32
      %dma_start3A_147 = tpu.memref_slice %arg21[%dma_start3A_145, %dma_start3A_146] : memref<10240x16xf32, #tpu.memory_space<vmem_shared>> -> memref<10240x16xf32, #tpu.memory_space<vmem_shared>>
      %dma_start3A_148 = tpu.memref_slice %arg18[%dma_start3A_138] : memref<4x!tpu.dma_semaphore, #tpu.memory_space<semaphore_mem>> -> memref<1x!tpu.dma_semaphore, #tpu.memory_space<semaphore_mem>>
      %dma_start3A_149 = tpu.memref_squeeze %dma_start3A_148 : memref<1x!tpu.dma_semaphore, #tpu.memory_space<semaphore_mem>> -> memref<!tpu.dma_semaphore, #tpu.memory_space<semaphore_mem>>
      tpu.enqueue_indirect_dma source(%dma_start3A_147 : memref<10240x16xf32, #tpu.memory_space<vmem_shared>>) target(%dma_start3A_141 : memref<625x16xf32, #tpu.memory_space<vmem>>) offsets(%dma_start3A_144 : memref<625xi32, #tpu.memory_space<vmem>>) semaphore(%dma_start3A_149 : memref<!tpu.dma_semaphore, #tpu.memory_space<semaphore_mem>>)
      %mul3A_150 = arith.constant 4 : i32
      %mul3A_151 = arith.muli %scan3A_102, %mul3A_150 : i32
      %add3A_152 = arith.constant 3 : i32
      %add3A_153 = arith.addi %mul3A_151, %add3A_152 : i32
      %dma_start3A_154 = arith.constant 3 : i32
      %dma_start3A_155 = arith.constant 1875 : i32
      %dma_start3A_156 = arith.constant 0 : i32
      %dma_start3A_157 = tpu.memref_slice %arg12[%dma_start3A_155, %dma_start3A_156] : memref<2500x16xf32, #tpu.memory_space<vmem>> -> memref<625x16xf32, #tpu.memory_space<vmem>>
      %dma_start3A_158 = arith.constant 0 : i32
      %dma_start3A_159 = tpu.memref_slice %arg10[%add3A_153, %dma_start3A_158] : memref<32x625xi32, #tpu.memory_space<vmem>> -> memref<1x625xi32, #tpu.memory_space<vmem>>
      %dma_start3A_160 = tpu.memref_squeeze %dma_start3A_159 : memref<1x625xi32, #tpu.memory_space<vmem>> -> memref<625xi32, #tpu.memory_space<vmem>>
      %dma_start3A_161 = arith.constant 0 : i32
      %dma_start3A_162 = arith.constant 0 : i32
      %dma_start3A_163 = tpu.memref_slice %arg21[%dma_start3A_161, %dma_start3A_162] : memref<10240x16xf32, #tpu.memory_space<vmem_shared>> -> memref<10240x16xf32, #tpu.memory_space<vmem_shared>>
      %dma_start3A_164 = tpu.memref_slice %arg18[%dma_start3A_154] : memref<4x!tpu.dma_semaphore, #tpu.memory_space<semaphore_mem>> -> memref<1x!tpu.dma_semaphore, #tpu.memory_space<semaphore_mem>>
      %dma_start3A_165 = tpu.memref_squeeze %dma_start3A_164 : memref<1x!tpu.dma_semaphore, #tpu.memory_space<semaphore_mem>> -> memref<!tpu.dma_semaphore, #tpu.memory_space<semaphore_mem>>
      tpu.enqueue_indirect_dma source(%dma_start3A_163 : memref<10240x16xf32, #tpu.memory_space<vmem_shared>>) target(%dma_start3A_157 : memref<625x16xf32, #tpu.memory_space<vmem>>) offsets(%dma_start3A_160 : memref<625xi32, #tpu.memory_space<vmem>>) semaphore(%dma_start3A_165 : memref<!tpu.dma_semaphore, #tpu.memory_space<semaphore_mem>>)
      %dma_wait3A = arith.constant 0 : i32
      %dma_wait3A_166 = arith.constant 0 : i32
      %dma_wait3A_167 = arith.constant 0 : i32
      %dma_wait3A_168 = tpu.memref_slice %arg12[%dma_wait3A_166, %dma_wait3A_167] : memref<2500x16xf32, #tpu.memory_space<vmem>> -> memref<625x16xf32, #tpu.memory_space<vmem>>
      %dma_wait3A_169 = arith.constant 0 : i32
      %dma_wait3A_170 = tpu.memref_slice %arg10[%add3A_106, %dma_wait3A_169] : memref<32x625xi32, #tpu.memory_space<vmem>> -> memref<1x625xi32, #tpu.memory_space<vmem>>
      %dma_wait3A_171 = tpu.memref_squeeze %dma_wait3A_170 : memref<1x625xi32, #tpu.memory_space<vmem>> -> memref<625xi32, #tpu.memory_space<vmem>>
      %dma_wait3A_172 = arith.constant 0 : i32
      %dma_wait3A_173 = arith.constant 0 : i32
      %dma_wait3A_174 = tpu.memref_slice %arg21[%dma_wait3A_172, %dma_wait3A_173] : memref<10240x16xf32, #tpu.memory_space<vmem_shared>> -> memref<10240x16xf32, #tpu.memory_space<vmem_shared>>
      %dma_wait3A_175 = tpu.memref_slice %arg18[%dma_wait3A] : memref<4x!tpu.dma_semaphore, #tpu.memory_space<semaphore_mem>> -> memref<1x!tpu.dma_semaphore, #tpu.memory_space<semaphore_mem>>
      %dma_wait3A_176 = tpu.memref_squeeze %dma_wait3A_175 : memref<1x!tpu.dma_semaphore, #tpu.memory_space<semaphore_mem>> -> memref<!tpu.dma_semaphore, #tpu.memory_space<semaphore_mem>>
      tpu.wait_indirect_dma semaphore(%dma_wait3A_176 : memref<!tpu.dma_semaphore, #tpu.memory_space<semaphore_mem>>) src(%dma_wait3A_174 : memref<10240x16xf32, #tpu.memory_space<vmem_shared>>) dst(%dma_wait3A_168 : memref<625x16xf32, #tpu.memory_space<vmem>>)
      %mul3A_177 = arith.constant 4 : i32
      %mul3A_178 = arith.muli %scan3A_102, %mul3A_177 : i32
      %add3A_179 = arith.constant 0 : i32
      %add3A_180 = arith.addi %mul3A_178, %add3A_179 : i32
      %dma_start3A_181 = arith.constant 0 : i32
      %dma_start3A_182 = arith.constant 0 : i32
      %dma_start3A_183 = arith.constant 0 : i32
      %dma_start3A_184 = tpu.memref_slice %arg12[%dma_start3A_182, %dma_start3A_183] : memref<2500x16xf32, #tpu.memory_space<vmem>> -> memref<625x16xf32, #tpu.memory_space<vmem>>
      %dma_start3A_185 = arith.constant 0 : i32
      %dma_start3A_186 = tpu.memref_slice %arg11[%add3A_180, %dma_start3A_185] : memref<32x625xi32, #tpu.memory_space<vmem>> -> memref<1x625xi32, #tpu.memory_space<vmem>>
      %dma_start3A_187 = tpu.memref_squeeze %dma_start3A_186 : memref<1x625xi32, #tpu.memory_space<vmem>> -> memref<625xi32, #tpu.memory_space<vmem>>
      %dma_start3A_188 = arith.constant 0 : i32
      %dma_start3A_189 = arith.constant 0 : i32
      %dma_start3A_190 = tpu.memref_slice %arg22[%dma_start3A_188, %dma_start3A_189] : memref<10240x16xf32, #tpu.memory_space<vmem_shared>> -> memref<10240x16xf32, #tpu.memory_space<vmem_shared>>
      %dma_start3A_191 = tpu.memref_slice %arg19[%dma_start3A_181] : memref<4x!tpu.dma_semaphore, #tpu.memory_space<semaphore_mem>> -> memref<1x!tpu.dma_semaphore, #tpu.memory_space<semaphore_mem>>
      %dma_start3A_192 = tpu.memref_squeeze %dma_start3A_191 : memref<1x!tpu.dma_semaphore, #tpu.memory_space<semaphore_mem>> -> memref<!tpu.dma_semaphore, #tpu.memory_space<semaphore_mem>>
      tpu.enqueue_indirect_dma source(%dma_start3A_184 : memref<625x16xf32, #tpu.memory_space<vmem>>) target(%dma_start3A_190 : memref<10240x16xf32, #tpu.memory_space<vmem_shared>>) offsets(%dma_start3A_187 : memref<625xi32, #tpu.memory_space<vmem>>) semaphore(%dma_start3A_192 : memref<!tpu.dma_semaphore, #tpu.memory_space<semaphore_mem>>) {add = true}
      %dma_wait3A_193 = arith.constant 1 : i32
      %dma_wait3A_194 = arith.constant 625 : i32
      %dma_wait3A_195 = arith.constant 0 : i32
      %dma_wait3A_196 = tpu.memref_slice %arg12[%dma_wait3A_194, %dma_wait3A_195] : memref<2500x16xf32, #tpu.memory_space<vmem>> -> memref<625x16xf32, #tpu.memory_space<vmem>>
      %dma_wait3A_197 = arith.constant 0 : i32
      %dma_wait3A_198 = tpu.memref_slice %arg10[%add3A_121, %dma_wait3A_197] : memref<32x625xi32, #tpu.memory_space<vmem>> -> memref<1x625xi32, #tpu.memory_space<vmem>>
      %dma_wait3A_199 = tpu.memref_squeeze %dma_wait3A_198 : memref<1x625xi32, #tpu.memory_space<vmem>> -> memref<625xi32, #tpu.memory_space<vmem>>
      %dma_wait3A_200 = arith.constant 0 : i32
      %dma_wait3A_201 = arith.constant 0 : i32
      %dma_wait3A_202 = tpu.memref_slice %arg21[%dma_wait3A_200, %dma_wait3A_201] : memref<10240x16xf32, #tpu.memory_space<vmem_shared>> -> memref<10240x16xf32, #tpu.memory_space<vmem_shared>>
      %dma_wait3A_203 = tpu.memref_slice %arg18[%dma_wait3A_193] : memref<4x!tpu.dma_semaphore, #tpu.memory_space<semaphore_mem>> -> memref<1x!tpu.dma_semaphore, #tpu.memory_space<semaphore_mem>>
      %dma_wait3A_204 = tpu.memref_squeeze %dma_wait3A_203 : memref<1x!tpu.dma_semaphore, #tpu.memory_space<semaphore_mem>> -> memref<!tpu.dma_semaphore, #tpu.memory_space<semaphore_mem>>
      tpu.wait_indirect_dma semaphore(%dma_wait3A_204 : memref<!tpu.dma_semaphore, #tpu.memory_space<semaphore_mem>>) src(%dma_wait3A_202 : memref<10240x16xf32, #tpu.memory_space<vmem_shared>>) dst(%dma_wait3A_196 : memref<625x16xf32, #tpu.memory_space<vmem>>)
      %mul3A_205 = arith.constant 4 : i32
      %mul3A_206 = arith.muli %scan3A_102, %mul3A_205 : i32
      %add3A_207 = arith.constant 1 : i32
      %add3A_208 = arith.addi %mul3A_206, %add3A_207 : i32
      %dma_start3A_209 = arith.constant 1 : i32
      %dma_start3A_210 = arith.constant 625 : i32
      %dma_start3A_211 = arith.constant 0 : i32
      %dma_start3A_212 = tpu.memref_slice %arg12[%dma_start3A_210, %dma_start3A_211] : memref<2500x16xf32, #tpu.memory_space<vmem>> -> memref<625x16xf32, #tpu.memory_space<vmem>>
      %dma_start3A_213 = arith.constant 0 : i32
      %dma_start3A_214 = tpu.memref_slice %arg11[%add3A_208, %dma_start3A_213] : memref<32x625xi32, #tpu.memory_space<vmem>> -> memref<1x625xi32, #tpu.memory_space<vmem>>
      %dma_start3A_215 = tpu.memref_squeeze %dma_start3A_214 : memref<1x625xi32, #tpu.memory_space<vmem>> -> memref<625xi32, #tpu.memory_space<vmem>>
      %dma_start3A_216 = arith.constant 0 : i32
      %dma_start3A_217 = arith.constant 0 : i32
      %dma_start3A_218 = tpu.memref_slice %arg22[%dma_start3A_216, %dma_start3A_217] : memref<10240x16xf32, #tpu.memory_space<vmem_shared>> -> memref<10240x16xf32, #tpu.memory_space<vmem_shared>>
      %dma_start3A_219 = tpu.memref_slice %arg19[%dma_start3A_209] : memref<4x!tpu.dma_semaphore, #tpu.memory_space<semaphore_mem>> -> memref<1x!tpu.dma_semaphore, #tpu.memory_space<semaphore_mem>>
      %dma_start3A_220 = tpu.memref_squeeze %dma_start3A_219 : memref<1x!tpu.dma_semaphore, #tpu.memory_space<semaphore_mem>> -> memref<!tpu.dma_semaphore, #tpu.memory_space<semaphore_mem>>
      tpu.enqueue_indirect_dma source(%dma_start3A_212 : memref<625x16xf32, #tpu.memory_space<vmem>>) target(%dma_start3A_218 : memref<10240x16xf32, #tpu.memory_space<vmem_shared>>) offsets(%dma_start3A_215 : memref<625xi32, #tpu.memory_space<vmem>>) semaphore(%dma_start3A_220 : memref<!tpu.dma_semaphore, #tpu.memory_space<semaphore_mem>>) {add = true}
      %dma_wait3A_221 = arith.constant 2 : i32
      %dma_wait3A_222 = arith.constant 1250 : i32
      %dma_wait3A_223 = arith.constant 0 : i32
      %dma_wait3A_224 = tpu.memref_slice %arg12[%dma_wait3A_222, %dma_wait3A_223] : memref<2500x16xf32, #tpu.memory_space<vmem>> -> memref<625x16xf32, #tpu.memory_space<vmem>>
      %dma_wait3A_225 = arith.constant 0 : i32
      %dma_wait3A_226 = tpu.memref_slice %arg10[%add3A_137, %dma_wait3A_225] : memref<32x625xi32, #tpu.memory_space<vmem>> -> memref<1x625xi32, #tpu.memory_space<vmem>>
      %dma_wait3A_227 = tpu.memref_squeeze %dma_wait3A_226 : memref<1x625xi32, #tpu.memory_space<vmem>> -> memref<625xi32, #tpu.memory_space<vmem>>
      %dma_wait3A_228 = arith.constant 0 : i32
      %dma_wait3A_229 = arith.constant 0 : i32
      %dma_wait3A_230 = tpu.memref_slice %arg21[%dma_wait3A_228, %dma_wait3A_229] : memref<10240x16xf32, #tpu.memory_space<vmem_shared>> -> memref<10240x16xf32, #tpu.memory_space<vmem_shared>>
      %dma_wait3A_231 = tpu.memref_slice %arg18[%dma_wait3A_221] : memref<4x!tpu.dma_semaphore, #tpu.memory_space<semaphore_mem>> -> memref<1x!tpu.dma_semaphore, #tpu.memory_space<semaphore_mem>>
      %dma_wait3A_232 = tpu.memref_squeeze %dma_wait3A_231 : memref<1x!tpu.dma_semaphore, #tpu.memory_space<semaphore_mem>> -> memref<!tpu.dma_semaphore, #tpu.memory_space<semaphore_mem>>
      tpu.wait_indirect_dma semaphore(%dma_wait3A_232 : memref<!tpu.dma_semaphore, #tpu.memory_space<semaphore_mem>>) src(%dma_wait3A_230 : memref<10240x16xf32, #tpu.memory_space<vmem_shared>>) dst(%dma_wait3A_224 : memref<625x16xf32, #tpu.memory_space<vmem>>)
      %mul3A_233 = arith.constant 4 : i32
      %mul3A_234 = arith.muli %scan3A_102, %mul3A_233 : i32
      %add3A_235 = arith.constant 2 : i32
      %add3A_236 = arith.addi %mul3A_234, %add3A_235 : i32
      %dma_start3A_237 = arith.constant 2 : i32
      %dma_start3A_238 = arith.constant 1250 : i32
      %dma_start3A_239 = arith.constant 0 : i32
      %dma_start3A_240 = tpu.memref_slice %arg12[%dma_start3A_238, %dma_start3A_239] : memref<2500x16xf32, #tpu.memory_space<vmem>> -> memref<625x16xf32, #tpu.memory_space<vmem>>
      %dma_start3A_241 = arith.constant 0 : i32
      %dma_start3A_242 = tpu.memref_slice %arg11[%add3A_236, %dma_start3A_241] : memref<32x625xi32, #tpu.memory_space<vmem>> -> memref<1x625xi32, #tpu.memory_space<vmem>>
      %dma_start3A_243 = tpu.memref_squeeze %dma_start3A_242 : memref<1x625xi32, #tpu.memory_space<vmem>> -> memref<625xi32, #tpu.memory_space<vmem>>
      %dma_start3A_244 = arith.constant 0 : i32
      %dma_start3A_245 = arith.constant 0 : i32
      %dma_start3A_246 = tpu.memref_slice %arg22[%dma_start3A_244, %dma_start3A_245] : memref<10240x16xf32, #tpu.memory_space<vmem_shared>> -> memref<10240x16xf32, #tpu.memory_space<vmem_shared>>
      %dma_start3A_247 = tpu.memref_slice %arg19[%dma_start3A_237] : memref<4x!tpu.dma_semaphore, #tpu.memory_space<semaphore_mem>> -> memref<1x!tpu.dma_semaphore, #tpu.memory_space<semaphore_mem>>
      %dma_start3A_248 = tpu.memref_squeeze %dma_start3A_247 : memref<1x!tpu.dma_semaphore, #tpu.memory_space<semaphore_mem>> -> memref<!tpu.dma_semaphore, #tpu.memory_space<semaphore_mem>>
      tpu.enqueue_indirect_dma source(%dma_start3A_240 : memref<625x16xf32, #tpu.memory_space<vmem>>) target(%dma_start3A_246 : memref<10240x16xf32, #tpu.memory_space<vmem_shared>>) offsets(%dma_start3A_243 : memref<625xi32, #tpu.memory_space<vmem>>) semaphore(%dma_start3A_248 : memref<!tpu.dma_semaphore, #tpu.memory_space<semaphore_mem>>) {add = true}
      %dma_wait3A_249 = arith.constant 3 : i32
      %dma_wait3A_250 = arith.constant 1875 : i32
      %dma_wait3A_251 = arith.constant 0 : i32
      %dma_wait3A_252 = tpu.memref_slice %arg12[%dma_wait3A_250, %dma_wait3A_251] : memref<2500x16xf32, #tpu.memory_space<vmem>> -> memref<625x16xf32, #tpu.memory_space<vmem>>
      %dma_wait3A_253 = arith.constant 0 : i32
      %dma_wait3A_254 = tpu.memref_slice %arg10[%add3A_153, %dma_wait3A_253] : memref<32x625xi32, #tpu.memory_space<vmem>> -> memref<1x625xi32, #tpu.memory_space<vmem>>
      %dma_wait3A_255 = tpu.memref_squeeze %dma_wait3A_254 : memref<1x625xi32, #tpu.memory_space<vmem>> -> memref<625xi32, #tpu.memory_space<vmem>>
      %dma_wait3A_256 = arith.constant 0 : i32
      %dma_wait3A_257 = arith.constant 0 : i32
      %dma_wait3A_258 = tpu.memref_slice %arg21[%dma_wait3A_256, %dma_wait3A_257] : memref<10240x16xf32, #tpu.memory_space<vmem_shared>> -> memref<10240x16xf32, #tpu.memory_space<vmem_shared>>
      %dma_wait3A_259 = tpu.memref_slice %arg18[%dma_wait3A_249] : memref<4x!tpu.dma_semaphore, #tpu.memory_space<semaphore_mem>> -> memref<1x!tpu.dma_semaphore, #tpu.memory_space<semaphore_mem>>
      %dma_wait3A_260 = tpu.memref_squeeze %dma_wait3A_259 : memref<1x!tpu.dma_semaphore, #tpu.memory_space<semaphore_mem>> -> memref<!tpu.dma_semaphore, #tpu.memory_space<semaphore_mem>>
      tpu.wait_indirect_dma semaphore(%dma_wait3A_260 : memref<!tpu.dma_semaphore, #tpu.memory_space<semaphore_mem>>) src(%dma_wait3A_258 : memref<10240x16xf32, #tpu.memory_space<vmem_shared>>) dst(%dma_wait3A_252 : memref<625x16xf32, #tpu.memory_space<vmem>>)
      %mul3A_261 = arith.constant 4 : i32
      %mul3A_262 = arith.muli %scan3A_102, %mul3A_261 : i32
      %add3A_263 = arith.constant 3 : i32
      %add3A_264 = arith.addi %mul3A_262, %add3A_263 : i32
      %dma_start3A_265 = arith.constant 3 : i32
      %dma_start3A_266 = arith.constant 1875 : i32
      %dma_start3A_267 = arith.constant 0 : i32
      %dma_start3A_268 = tpu.memref_slice %arg12[%dma_start3A_266, %dma_start3A_267] : memref<2500x16xf32, #tpu.memory_space<vmem>> -> memref<625x16xf32, #tpu.memory_space<vmem>>
      %dma_start3A_269 = arith.constant 0 : i32
      %dma_start3A_270 = tpu.memref_slice %arg11[%add3A_264, %dma_start3A_269] : memref<32x625xi32, #tpu.memory_space<vmem>> -> memref<1x625xi32, #tpu.memory_space<vmem>>
      %dma_start3A_271 = tpu.memref_squeeze %dma_start3A_270 : memref<1x625xi32, #tpu.memory_space<vmem>> -> memref<625xi32, #tpu.memory_space<vmem>>
      %dma_start3A_272 = arith.constant 0 : i32
      %dma_start3A_273 = arith.constant 0 : i32
      %dma_start3A_274 = tpu.memref_slice %arg22[%dma_start3A_272, %dma_start3A_273] : memref<10240x16xf32, #tpu.memory_space<vmem_shared>> -> memref<10240x16xf32, #tpu.memory_space<vmem_shared>>
      %dma_start3A_275 = tpu.memref_slice %arg19[%dma_start3A_265] : memref<4x!tpu.dma_semaphore, #tpu.memory_space<semaphore_mem>> -> memref<1x!tpu.dma_semaphore, #tpu.memory_space<semaphore_mem>>
      %dma_start3A_276 = tpu.memref_squeeze %dma_start3A_275 : memref<1x!tpu.dma_semaphore, #tpu.memory_space<semaphore_mem>> -> memref<!tpu.dma_semaphore, #tpu.memory_space<semaphore_mem>>
      tpu.enqueue_indirect_dma source(%dma_start3A_268 : memref<625x16xf32, #tpu.memory_space<vmem>>) target(%dma_start3A_274 : memref<10240x16xf32, #tpu.memory_space<vmem_shared>>) offsets(%dma_start3A_271 : memref<625xi32, #tpu.memory_space<vmem>>) semaphore(%dma_start3A_276 : memref<!tpu.dma_semaphore, #tpu.memory_space<semaphore_mem>>) {add = true}
      %dma_wait3A_277 = arith.constant 0 : i32
      %dma_wait3A_278 = arith.constant 0 : i32
      %dma_wait3A_279 = arith.constant 0 : i32
      %dma_wait3A_280 = tpu.memref_slice %arg12[%dma_wait3A_278, %dma_wait3A_279] : memref<2500x16xf32, #tpu.memory_space<vmem>> -> memref<625x16xf32, #tpu.memory_space<vmem>>
      %dma_wait3A_281 = arith.constant 0 : i32
      %dma_wait3A_282 = tpu.memref_slice %arg11[%add3A_180, %dma_wait3A_281] : memref<32x625xi32, #tpu.memory_space<vmem>> -> memref<1x625xi32, #tpu.memory_space<vmem>>
      %dma_wait3A_283 = tpu.memref_squeeze %dma_wait3A_282 : memref<1x625xi32, #tpu.memory_space<vmem>> -> memref<625xi32, #tpu.memory_space<vmem>>
      %dma_wait3A_284 = arith.constant 0 : i32
      %dma_wait3A_285 = arith.constant 0 : i32
      %dma_wait3A_286 = tpu.memref_slice %arg22[%dma_wait3A_284, %dma_wait3A_285] : memref<10240x16xf32, #tpu.memory_space<vmem_shared>> -> memref<10240x16xf32, #tpu.memory_space<vmem_shared>>
      %dma_wait3A_287 = tpu.memref_slice %arg19[%dma_wait3A_277] : memref<4x!tpu.dma_semaphore, #tpu.memory_space<semaphore_mem>> -> memref<1x!tpu.dma_semaphore, #tpu.memory_space<semaphore_mem>>
      %dma_wait3A_288 = tpu.memref_squeeze %dma_wait3A_287 : memref<1x!tpu.dma_semaphore, #tpu.memory_space<semaphore_mem>> -> memref<!tpu.dma_semaphore, #tpu.memory_space<semaphore_mem>>
      tpu.wait_indirect_dma semaphore(%dma_wait3A_288 : memref<!tpu.dma_semaphore, #tpu.memory_space<semaphore_mem>>) src(%dma_wait3A_280 : memref<625x16xf32, #tpu.memory_space<vmem>>) dst(%dma_wait3A_286 : memref<10240x16xf32, #tpu.memory_space<vmem_shared>>)
      %dma_wait3A_289 = arith.constant 1 : i32
      %dma_wait3A_290 = arith.constant 625 : i32
      %dma_wait3A_291 = arith.constant 0 : i32
      %dma_wait3A_292 = tpu.memref_slice %arg12[%dma_wait3A_290, %dma_wait3A_291] : memref<2500x16xf32, #tpu.memory_space<vmem>> -> memref<625x16xf32, #tpu.memory_space<vmem>>
      %dma_wait3A_293 = arith.constant 0 : i32
      %dma_wait3A_294 = tpu.memref_slice %arg11[%add3A_208, %dma_wait3A_293] : memref<32x625xi32, #tpu.memory_space<vmem>> -> memref<1x625xi32, #tpu.memory_space<vmem>>
      %dma_wait3A_295 = tpu.memref_squeeze %dma_wait3A_294 : memref<1x625xi32, #tpu.memory_space<vmem>> -> memref<625xi32, #tpu.memory_space<vmem>>
      %dma_wait3A_296 = arith.constant 0 : i32
      %dma_wait3A_297 = arith.constant 0 : i32
      %dma_wait3A_298 = tpu.memref_slice %arg22[%dma_wait3A_296, %dma_wait3A_297] : memref<10240x16xf32, #tpu.memory_space<vmem_shared>> -> memref<10240x16xf32, #tpu.memory_space<vmem_shared>>
      %dma_wait3A_299 = tpu.memref_slice %arg19[%dma_wait3A_289] : memref<4x!tpu.dma_semaphore, #tpu.memory_space<semaphore_mem>> -> memref<1x!tpu.dma_semaphore, #tpu.memory_space<semaphore_mem>>
      %dma_wait3A_300 = tpu.memref_squeeze %dma_wait3A_299 : memref<1x!tpu.dma_semaphore, #tpu.memory_space<semaphore_mem>> -> memref<!tpu.dma_semaphore, #tpu.memory_space<semaphore_mem>>
      tpu.wait_indirect_dma semaphore(%dma_wait3A_300 : memref<!tpu.dma_semaphore, #tpu.memory_space<semaphore_mem>>) src(%dma_wait3A_292 : memref<625x16xf32, #tpu.memory_space<vmem>>) dst(%dma_wait3A_298 : memref<10240x16xf32, #tpu.memory_space<vmem_shared>>)
      %dma_wait3A_301 = arith.constant 2 : i32
      %dma_wait3A_302 = arith.constant 1250 : i32
      %dma_wait3A_303 = arith.constant 0 : i32
      %dma_wait3A_304 = tpu.memref_slice %arg12[%dma_wait3A_302, %dma_wait3A_303] : memref<2500x16xf32, #tpu.memory_space<vmem>> -> memref<625x16xf32, #tpu.memory_space<vmem>>
      %dma_wait3A_305 = arith.constant 0 : i32
      %dma_wait3A_306 = tpu.memref_slice %arg11[%add3A_236, %dma_wait3A_305] : memref<32x625xi32, #tpu.memory_space<vmem>> -> memref<1x625xi32, #tpu.memory_space<vmem>>
      %dma_wait3A_307 = tpu.memref_squeeze %dma_wait3A_306 : memref<1x625xi32, #tpu.memory_space<vmem>> -> memref<625xi32, #tpu.memory_space<vmem>>
      %dma_wait3A_308 = arith.constant 0 : i32
      %dma_wait3A_309 = arith.constant 0 : i32
      %dma_wait3A_310 = tpu.memref_slice %arg22[%dma_wait3A_308, %dma_wait3A_309] : memref<10240x16xf32, #tpu.memory_space<vmem_shared>> -> memref<10240x16xf32, #tpu.memory_space<vmem_shared>>
      %dma_wait3A_311 = tpu.memref_slice %arg19[%dma_wait3A_301] : memref<4x!tpu.dma_semaphore, #tpu.memory_space<semaphore_mem>> -> memref<1x!tpu.dma_semaphore, #tpu.memory_space<semaphore_mem>>
      %dma_wait3A_312 = tpu.memref_squeeze %dma_wait3A_311 : memref<1x!tpu.dma_semaphore, #tpu.memory_space<semaphore_mem>> -> memref<!tpu.dma_semaphore, #tpu.memory_space<semaphore_mem>>
      tpu.wait_indirect_dma semaphore(%dma_wait3A_312 : memref<!tpu.dma_semaphore, #tpu.memory_space<semaphore_mem>>) src(%dma_wait3A_304 : memref<625x16xf32, #tpu.memory_space<vmem>>) dst(%dma_wait3A_310 : memref<10240x16xf32, #tpu.memory_space<vmem_shared>>)
      %dma_wait3A_313 = arith.constant 3 : i32
      %dma_wait3A_314 = arith.constant 1875 : i32
      %dma_wait3A_315 = arith.constant 0 : i32
      %dma_wait3A_316 = tpu.memref_slice %arg12[%dma_wait3A_314, %dma_wait3A_315] : memref<2500x16xf32, #tpu.memory_space<vmem>> -> memref<625x16xf32, #tpu.memory_space<vmem>>
      %dma_wait3A_317 = arith.constant 0 : i32
      %dma_wait3A_318 = tpu.memref_slice %arg11[%add3A_264, %dma_wait3A_317] : memref<32x625xi32, #tpu.memory_space<vmem>> -> memref<1x625xi32, #tpu.memory_space<vmem>>
      %dma_wait3A_319 = tpu.memref_squeeze %dma_wait3A_318 : memref<1x625xi32, #tpu.memory_space<vmem>> -> memref<625xi32, #tpu.memory_space<vmem>>
      %dma_wait3A_320 = arith.constant 0 : i32
      %dma_wait3A_321 = arith.constant 0 : i32
      %dma_wait3A_322 = tpu.memref_slice %arg22[%dma_wait3A_320, %dma_wait3A_321] : memref<10240x16xf32, #tpu.memory_space<vmem_shared>> -> memref<10240x16xf32, #tpu.memory_space<vmem_shared>>
      %dma_wait3A_323 = tpu.memref_slice %arg19[%dma_wait3A_313] : memref<4x!tpu.dma_semaphore, #tpu.memory_space<semaphore_mem>> -> memref<1x!tpu.dma_semaphore, #tpu.memory_space<semaphore_mem>>
      %dma_wait3A_324 = tpu.memref_squeeze %dma_wait3A_323 : memref<1x!tpu.dma_semaphore, #tpu.memory_space<semaphore_mem>> -> memref<!tpu.dma_semaphore, #tpu.memory_space<semaphore_mem>>
      tpu.wait_indirect_dma semaphore(%dma_wait3A_324 : memref<!tpu.dma_semaphore, #tpu.memory_space<semaphore_mem>>) src(%dma_wait3A_316 : memref<625x16xf32, #tpu.memory_space<vmem>>) dst(%dma_wait3A_322 : memref<10240x16xf32, #tpu.memory_space<vmem_shared>>)
      %scan3A_325 = arith.constant 0 : i32
      scf.yield %scan3A_325 : i32
    }
    %scan3A_32 = arith.constant 8 : i32
    %barrier3A_33 = arith.constant 0 : index
    tpu.barrier barrier_id(%barrier3A_33)
    "tpu.region"() ({
      %run_scoped3A_102 = tpu.sem_alloc : memref<!tpu.dma_semaphore, #tpu.memory_space<semaphore_mem>>
      %dma_start3A = arith.constant 0 : i32
      %dma_start3A_103 = tpu.memref_slice %arg22[%mul3A_0, %dma_start3A] : memref<10240x16xf32, #tpu.memory_space<vmem_shared>> -> memref<640x16xf32, #tpu.memory_space<vmem_shared>>
      %dma_start3A_104 = arith.constant 0 : i32
      %dma_start3A_105 = tpu.memref_slice %arg22[%mul3A_0, %dma_start3A_104] : memref<10240x16xf32, #tpu.memory_space<vmem_shared>> -> memref<640x16xf32, #tpu.memory_space<vmem_shared>>
      tpu.enqueue_dma source(%dma_start3A_105 : memref<640x16xf32, #tpu.memory_space<vmem_shared>>) target(%arg14 : memref<640x16xf32, #tpu.memory_space<vmem>>) target_semaphore(%run_scoped3A_102 : memref<!tpu.dma_semaphore, #tpu.memory_space<semaphore_mem>>)
      %dma_wait3A = arith.constant 0 : i32
      %dma_wait3A_106 = tpu.memref_slice %arg22[%mul3A_0, %dma_wait3A] : memref<10240x16xf32, #tpu.memory_space<vmem_shared>> -> memref<640x16xf32, #tpu.memory_space<vmem_shared>>
      %dma_wait3A_107 = arith.constant 0 : i32
      %dma_wait3A_108 = tpu.memref_slice %arg22[%mul3A_0, %dma_wait3A_107] : memref<10240x16xf32, #tpu.memory_space<vmem_shared>> -> memref<640x16xf32, #tpu.memory_space<vmem_shared>>
      tpu.wait_dma2 semaphore(%run_scoped3A_102 : memref<!tpu.dma_semaphore, #tpu.memory_space<semaphore_mem>>) src(%dma_wait3A_108 : memref<640x16xf32, #tpu.memory_space<vmem_shared>>) dst(%arg14 : memref<640x16xf32, #tpu.memory_space<vmem>>)
      tpu.yield
    }) : () -> ()
    "tpu.region"() ({
      %run_scoped3A_102 = tpu.sem_alloc : memref<!tpu.dma_semaphore, #tpu.memory_space<semaphore_mem>>
      %dma_start3A = arith.constant 0 : i32
      %dma_start3A_103 = tpu.memref_slice %arg3[%mul3A_0, %dma_start3A] : memref<10240x16xf32, #tpu.memory_space<hbm>> -> memref<640x16xf32, #tpu.memory_space<hbm>>
      %dma_start3A_104 = arith.constant 0 : i32
      %dma_start3A_105 = tpu.memref_slice %arg3[%mul3A_0, %dma_start3A_104] : memref<10240x16xf32, #tpu.memory_space<hbm>> -> memref<640x16xf32, #tpu.memory_space<hbm>>
      tpu.enqueue_dma source(%dma_start3A_105 : memref<640x16xf32, #tpu.memory_space<hbm>>) target(%arg13 : memref<640x16xf32, #tpu.memory_space<vmem>>) target_semaphore(%run_scoped3A_102 : memref<!tpu.dma_semaphore, #tpu.memory_space<semaphore_mem>>)
      %dma_wait3A = arith.constant 0 : i32
      %dma_wait3A_106 = tpu.memref_slice %arg3[%mul3A_0, %dma_wait3A] : memref<10240x16xf32, #tpu.memory_space<hbm>> -> memref<640x16xf32, #tpu.memory_space<hbm>>
      %dma_wait3A_107 = arith.constant 0 : i32
      %dma_wait3A_108 = tpu.memref_slice %arg3[%mul3A_0, %dma_wait3A_107] : memref<10240x16xf32, #tpu.memory_space<hbm>> -> memref<640x16xf32, #tpu.memory_space<hbm>>
      tpu.wait_dma2 semaphore(%run_scoped3A_102 : memref<!tpu.dma_semaphore, #tpu.memory_space<semaphore_mem>>) src(%dma_wait3A_108 : memref<640x16xf32, #tpu.memory_space<hbm>>) dst(%arg13 : memref<640x16xf32, #tpu.memory_space<vmem>>)
      tpu.yield
    }) : () -> ()
    %scan3A_34 = arith.constant 0 : i32
    %scan3A_35 = arith.constant 0 : i32
    %scan3A_36 = arith.constant 640 : i32
    %scan3A_37 = arith.addi %scan3A_35, %scan3A_36 : i32
    %scan3A_38 = arith.constant 1 : i32
    %scan3A_39 = scf.for %scan3A_102 = %scan3A_35 to %scan3A_37 step %scan3A_38 iter_args(%scan3A_103 = %scan3A_34) -> (i32)  : i32 {
      %broadcast_in_dim3A = vector.broadcast %scan3A_102 : i32 to vector<16xi32>
      %gather3A = tpu.vector_load_idx %arg16[%broadcast_in_dim3A] : memref<640xf32, #tpu.memory_space<vmem>>[vector<16xi32>], vector<16xf32>,
      %get3A = arith.index_cast %scan3A_102 : i32 to index
      %get3A_104 = arith.constant 0 : index
      %get3A_105 = tpu.vector_load %arg13[%get3A, %get3A_104] {strides = array<i32>} : memref<640x16xf32, #tpu.memory_space<vmem>>, vector<16xf32>,
      %get3A_106 = arith.index_cast %scan3A_102 : i32 to index
      %get3A_107 = arith.constant 0 : index
      %get3A_108 = tpu.vector_load %arg14[%get3A_106, %get3A_107] {strides = array<i32>} : memref<640x16xf32, #tpu.memory_space<vmem>>, vector<16xf32>,
      %mul3A_109 = arith.mulf %gather3A, %get3A_108 : vector<16xf32>
      %sub3A_110 = arith.subf %get3A_105, %mul3A_109 : vector<16xf32>
      %max3A = arith.constant 0.000000e+00 : f32
      %max3A_111 = vector.broadcast %max3A : f32 to vector<16xf32>
      %max3A_112 = arith.maximumf %sub3A_110, %max3A_111 : vector<16xf32>
      %swap3A = arith.index_cast %scan3A_102 : i32 to index
      %swap3A_113 = arith.constant 0 : index
      %swap3A_114 = tpu.vector_load %arg13[%swap3A, %swap3A_113] {strides = array<i32>} : memref<640x16xf32, #tpu.memory_space<vmem>>, vector<16xf32>,
      tpu.vector_store %arg13[%swap3A, %swap3A_113], %max3A_112 {strides = array<i32>} : memref<640x16xf32, #tpu.memory_space<vmem>>, vector<16xf32>,
      %mul3A_115 = arith.mulf %gather3A, %max3A_112 : vector<16xf32>
      %swap3A_116 = arith.index_cast %scan3A_102 : i32 to index
      %swap3A_117 = arith.constant 0 : index
      %swap3A_118 = tpu.vector_load %arg14[%swap3A_116, %swap3A_117] {strides = array<i32>} : memref<640x16xf32, #tpu.memory_space<vmem>>, vector<16xf32>,
      tpu.vector_store %arg14[%swap3A_116, %swap3A_117], %mul3A_115 {strides = array<i32>} : memref<640x16xf32, #tpu.memory_space<vmem>>, vector<16xf32>,
      %scan3A_119 = arith.constant 0 : i32
      scf.yield %scan3A_119 : i32
    }
    %scan3A_40 = arith.constant 640 : i32
    "tpu.region"() ({
      %run_scoped3A_102 = tpu.sem_alloc : memref<!tpu.dma_semaphore, #tpu.memory_space<semaphore_mem>>
      %dma_start3A = arith.constant 0 : i32
      %dma_start3A_103 = tpu.memref_slice %arg22[%mul3A_0, %dma_start3A] : memref<10240x16xf32, #tpu.memory_space<vmem_shared>> -> memref<640x16xf32, #tpu.memory_space<vmem_shared>>
      %dma_start3A_104 = arith.constant 0 : i32
      %dma_start3A_105 = tpu.memref_slice %arg5[%mul3A_0, %dma_start3A_104] : memref<10240x16xf32, #tpu.memory_space<hbm>> -> memref<640x16xf32, #tpu.memory_space<hbm>>
      tpu.enqueue_dma source(%dma_start3A_105 : memref<640x16xf32, #tpu.memory_space<hbm>>) target(%dma_start3A_103 : memref<640x16xf32, #tpu.memory_space<vmem_shared>>) target_semaphore(%run_scoped3A_102 : memref<!tpu.dma_semaphore, #tpu.memory_space<semaphore_mem>>)
      %dma_wait3A = arith.constant 0 : i32
      %dma_wait3A_106 = tpu.memref_slice %arg22[%mul3A_0, %dma_wait3A] : memref<10240x16xf32, #tpu.memory_space<vmem_shared>> -> memref<640x16xf32, #tpu.memory_space<vmem_shared>>
      %dma_wait3A_107 = arith.constant 0 : i32
      %dma_wait3A_108 = tpu.memref_slice %arg5[%mul3A_0, %dma_wait3A_107] : memref<10240x16xf32, #tpu.memory_space<hbm>> -> memref<640x16xf32, #tpu.memory_space<hbm>>
      tpu.wait_dma2 semaphore(%run_scoped3A_102 : memref<!tpu.dma_semaphore, #tpu.memory_space<semaphore_mem>>) src(%dma_wait3A_108 : memref<640x16xf32, #tpu.memory_space<hbm>>) dst(%dma_wait3A_106 : memref<640x16xf32, #tpu.memory_space<vmem_shared>>)
      tpu.yield
    }) : () -> ()
    "tpu.region"() ({
      %run_scoped3A_102 = tpu.sem_alloc : memref<!tpu.dma_semaphore, #tpu.memory_space<semaphore_mem>>
      %dma_start3A = arith.constant 0 : i32
      %dma_start3A_103 = tpu.memref_slice %arg21[%mul3A_0, %dma_start3A] : memref<10240x16xf32, #tpu.memory_space<vmem_shared>> -> memref<640x16xf32, #tpu.memory_space<vmem_shared>>
      %dma_start3A_104 = arith.constant 0 : i32
      %dma_start3A_105 = tpu.memref_slice %arg21[%mul3A_0, %dma_start3A_104] : memref<10240x16xf32, #tpu.memory_space<vmem_shared>> -> memref<640x16xf32, #tpu.memory_space<vmem_shared>>
      tpu.enqueue_dma source(%arg14 : memref<640x16xf32, #tpu.memory_space<vmem>>) target(%dma_start3A_105 : memref<640x16xf32, #tpu.memory_space<vmem_shared>>) target_semaphore(%run_scoped3A_102 : memref<!tpu.dma_semaphore, #tpu.memory_space<semaphore_mem>>)
      %dma_wait3A = arith.constant 0 : i32
      %dma_wait3A_106 = tpu.memref_slice %arg21[%mul3A_0, %dma_wait3A] : memref<10240x16xf32, #tpu.memory_space<vmem_shared>> -> memref<640x16xf32, #tpu.memory_space<vmem_shared>>
      %dma_wait3A_107 = arith.constant 0 : i32
      %dma_wait3A_108 = tpu.memref_slice %arg21[%mul3A_0, %dma_wait3A_107] : memref<10240x16xf32, #tpu.memory_space<vmem_shared>> -> memref<640x16xf32, #tpu.memory_space<vmem_shared>>
      tpu.wait_dma2 semaphore(%run_scoped3A_102 : memref<!tpu.dma_semaphore, #tpu.memory_space<semaphore_mem>>) src(%arg14 : memref<640x16xf32, #tpu.memory_space<vmem>>) dst(%dma_wait3A_108 : memref<640x16xf32, #tpu.memory_space<vmem_shared>>)
      tpu.yield
    }) : () -> ()
    %jit3A = arith.constant 8 : i32
    %div3A = arith.divsi %arg1, %jit3A : i32
    %sign3A = arith.constant 0 : i32
    %sign3A_41 = arith.cmpi sgt, %arg1, %sign3A : i32
    %sign3A_42 = arith.extui %sign3A_41 : i1 to i32
    %sign3A_43 = arith.constant 0 : i32
    %sign3A_44 = arith.cmpi slt, %arg1, %sign3A_43 : i32
    %sign3A_45 = arith.extui %sign3A_44 : i1 to i32
    %sign3A_46 = arith.subi %sign3A_42, %sign3A_45 : i32
    %sign3A_47 = arith.constant 0 : i32
    %sign3A_48 = arith.cmpi sgt, %jit3A, %sign3A_47 : i32
    %sign3A_49 = arith.extui %sign3A_48 : i1 to i32
    %sign3A_50 = arith.constant 0 : i32
    %sign3A_51 = arith.cmpi slt, %jit3A, %sign3A_50 : i32
    %sign3A_52 = arith.extui %sign3A_51 : i1 to i32
    %sign3A_53 = arith.subi %sign3A_49, %sign3A_52 : i32
    %ne3A = arith.cmpi ne, %sign3A_46, %sign3A_53 : i32
    %rem3A = arith.remsi %arg1, %jit3A : i32
    %ne3A_54 = arith.constant 0 : i32
    %ne3A_55 = arith.cmpi ne, %rem3A, %ne3A_54 : i32
    %and3A = arith.andi %ne3A, %ne3A_55 : i1
    %sub3A = arith.constant 1 : i32
    %sub3A_56 = arith.subi %div3A, %sub3A : i32
    %select_n3A = arith.select %and3A, %sub3A_56, %div3A : i32
    %eq3A = arith.cmpi eq, %select_n3A, %arg0 : i32
    %convert_element_type3A = arith.extui %eq3A : i1 to i32
    %cond3A = arith.constant 0 : i32
    %cond3A_57 = arith.cmpi ne, %convert_element_type3A, %cond3A : i32
    scf.if %cond3A_57 {
      "tpu.region"() ({
        %run_scoped3A_102 = tpu.sem_alloc : memref<!tpu.dma_semaphore, #tpu.memory_space<semaphore_mem>>
        %dma_start3A = arith.constant 0 : i32
        %dma_start3A_103 = tpu.memref_slice %arg8[%mul3A_0, %dma_start3A] : memref<10240x16xf32, #tpu.memory_space<hbm>> -> memref<640x16xf32, #tpu.memory_space<hbm>>
        %dma_start3A_104 = arith.constant 0 : i32
        %dma_start3A_105 = tpu.memref_slice %arg8[%mul3A_0, %dma_start3A_104] : memref<10240x16xf32, #tpu.memory_space<hbm>> -> memref<640x16xf32, #tpu.memory_space<hbm>>
        tpu.enqueue_dma source(%arg13 : memref<640x16xf32, #tpu.memory_space<vmem>>) target(%dma_start3A_105 : memref<640x16xf32, #tpu.memory_space<hbm>>) target_semaphore(%run_scoped3A_102 : memref<!tpu.dma_semaphore, #tpu.memory_space<semaphore_mem>>)
        %dma_wait3A = arith.constant 0 : i32
        %dma_wait3A_106 = tpu.memref_slice %arg8[%mul3A_0, %dma_wait3A] : memref<10240x16xf32, #tpu.memory_space<hbm>> -> memref<640x16xf32, #tpu.memory_space<hbm>>
        %dma_wait3A_107 = arith.constant 0 : i32
        %dma_wait3A_108 = tpu.memref_slice %arg8[%mul3A_0, %dma_wait3A_107] : memref<10240x16xf32, #tpu.memory_space<hbm>> -> memref<640x16xf32, #tpu.memory_space<hbm>>
        tpu.wait_dma2 semaphore(%run_scoped3A_102 : memref<!tpu.dma_semaphore, #tpu.memory_space<semaphore_mem>>) src(%arg13 : memref<640x16xf32, #tpu.memory_space<vmem>>) dst(%dma_wait3A_108 : memref<640x16xf32, #tpu.memory_space<hbm>>)
        tpu.yield
      }) : () -> ()
    } else {
    }
    %barrier3A_58 = arith.constant 0 : index
    tpu.barrier barrier_id(%barrier3A_58)
    %scan3A_59 = arith.constant 0 : i32
    %scan3A_60 = arith.constant 0 : i32
    %scan3A_61 = arith.constant 8 : i32
    %scan3A_62 = arith.addi %scan3A_60, %scan3A_61 : i32
    %scan3A_63 = arith.constant 1 : i32
    %scan3A_64 = scf.for %scan3A_102 = %scan3A_60 to %scan3A_62 step %scan3A_63 iter_args(%scan3A_103 = %scan3A_59) -> (i32)  : i32 {
      %mul3A_104 = arith.constant 4 : i32
      %mul3A_105 = arith.muli %scan3A_102, %mul3A_104 : i32
      %add3A = arith.constant 0 : i32
      %add3A_106 = arith.addi %mul3A_105, %add3A : i32
      %dma_start3A = arith.constant 0 : i32
      %dma_start3A_107 = arith.constant 0 : i32
      %dma_start3A_108 = arith.constant 0 : i32
      %dma_start3A_109 = tpu.memref_slice %arg12[%dma_start3A_107, %dma_start3A_108] : memref<2500x16xf32, #tpu.memory_space<vmem>> -> memref<625x16xf32, #tpu.memory_space<vmem>>
      %dma_start3A_110 = arith.constant 0 : i32
      %dma_start3A_111 = tpu.memref_slice %arg10[%add3A_106, %dma_start3A_110] : memref<32x625xi32, #tpu.memory_space<vmem>> -> memref<1x625xi32, #tpu.memory_space<vmem>>
      %dma_start3A_112 = tpu.memref_squeeze %dma_start3A_111 : memref<1x625xi32, #tpu.memory_space<vmem>> -> memref<625xi32, #tpu.memory_space<vmem>>
      %dma_start3A_113 = arith.constant 0 : i32
      %dma_start3A_114 = arith.constant 0 : i32
      %dma_start3A_115 = tpu.memref_slice %arg21[%dma_start3A_113, %dma_start3A_114] : memref<10240x16xf32, #tpu.memory_space<vmem_shared>> -> memref<10240x16xf32, #tpu.memory_space<vmem_shared>>
      %dma_start3A_116 = tpu.memref_slice %arg18[%dma_start3A] : memref<4x!tpu.dma_semaphore, #tpu.memory_space<semaphore_mem>> -> memref<1x!tpu.dma_semaphore, #tpu.memory_space<semaphore_mem>>
      %dma_start3A_117 = tpu.memref_squeeze %dma_start3A_116 : memref<1x!tpu.dma_semaphore, #tpu.memory_space<semaphore_mem>> -> memref<!tpu.dma_semaphore, #tpu.memory_space<semaphore_mem>>
      tpu.enqueue_indirect_dma source(%dma_start3A_115 : memref<10240x16xf32, #tpu.memory_space<vmem_shared>>) target(%dma_start3A_109 : memref<625x16xf32, #tpu.memory_space<vmem>>) offsets(%dma_start3A_112 : memref<625xi32, #tpu.memory_space<vmem>>) semaphore(%dma_start3A_117 : memref<!tpu.dma_semaphore, #tpu.memory_space<semaphore_mem>>)
      %mul3A_118 = arith.constant 4 : i32
      %mul3A_119 = arith.muli %scan3A_102, %mul3A_118 : i32
      %add3A_120 = arith.constant 1 : i32
      %add3A_121 = arith.addi %mul3A_119, %add3A_120 : i32
      %dma_start3A_122 = arith.constant 1 : i32
      %dma_start3A_123 = arith.constant 625 : i32
      %dma_start3A_124 = arith.constant 0 : i32
      %dma_start3A_125 = tpu.memref_slice %arg12[%dma_start3A_123, %dma_start3A_124] : memref<2500x16xf32, #tpu.memory_space<vmem>> -> memref<625x16xf32, #tpu.memory_space<vmem>>
      %dma_start3A_126 = arith.constant 0 : i32
      %dma_start3A_127 = tpu.memref_slice %arg10[%add3A_121, %dma_start3A_126] : memref<32x625xi32, #tpu.memory_space<vmem>> -> memref<1x625xi32, #tpu.memory_space<vmem>>
      %dma_start3A_128 = tpu.memref_squeeze %dma_start3A_127 : memref<1x625xi32, #tpu.memory_space<vmem>> -> memref<625xi32, #tpu.memory_space<vmem>>
      %dma_start3A_129 = arith.constant 0 : i32
      %dma_start3A_130 = arith.constant 0 : i32
      %dma_start3A_131 = tpu.memref_slice %arg21[%dma_start3A_129, %dma_start3A_130] : memref<10240x16xf32, #tpu.memory_space<vmem_shared>> -> memref<10240x16xf32, #tpu.memory_space<vmem_shared>>
      %dma_start3A_132 = tpu.memref_slice %arg18[%dma_start3A_122] : memref<4x!tpu.dma_semaphore, #tpu.memory_space<semaphore_mem>> -> memref<1x!tpu.dma_semaphore, #tpu.memory_space<semaphore_mem>>
      %dma_start3A_133 = tpu.memref_squeeze %dma_start3A_132 : memref<1x!tpu.dma_semaphore, #tpu.memory_space<semaphore_mem>> -> memref<!tpu.dma_semaphore, #tpu.memory_space<semaphore_mem>>
      tpu.enqueue_indirect_dma source(%dma_start3A_131 : memref<10240x16xf32, #tpu.memory_space<vmem_shared>>) target(%dma_start3A_125 : memref<625x16xf32, #tpu.memory_space<vmem>>) offsets(%dma_start3A_128 : memref<625xi32, #tpu.memory_space<vmem>>) semaphore(%dma_start3A_133 : memref<!tpu.dma_semaphore, #tpu.memory_space<semaphore_mem>>)
      %mul3A_134 = arith.constant 4 : i32
      %mul3A_135 = arith.muli %scan3A_102, %mul3A_134 : i32
      %add3A_136 = arith.constant 2 : i32
      %add3A_137 = arith.addi %mul3A_135, %add3A_136 : i32
      %dma_start3A_138 = arith.constant 2 : i32
      %dma_start3A_139 = arith.constant 1250 : i32
      %dma_start3A_140 = arith.constant 0 : i32
      %dma_start3A_141 = tpu.memref_slice %arg12[%dma_start3A_139, %dma_start3A_140] : memref<2500x16xf32, #tpu.memory_space<vmem>> -> memref<625x16xf32, #tpu.memory_space<vmem>>
      %dma_start3A_142 = arith.constant 0 : i32
      %dma_start3A_143 = tpu.memref_slice %arg10[%add3A_137, %dma_start3A_142] : memref<32x625xi32, #tpu.memory_space<vmem>> -> memref<1x625xi32, #tpu.memory_space<vmem>>
      %dma_start3A_144 = tpu.memref_squeeze %dma_start3A_143 : memref<1x625xi32, #tpu.memory_space<vmem>> -> memref<625xi32, #tpu.memory_space<vmem>>
      %dma_start3A_145 = arith.constant 0 : i32
      %dma_start3A_146 = arith.constant 0 : i32
      %dma_start3A_147 = tpu.memref_slice %arg21[%dma_start3A_145, %dma_start3A_146] : memref<10240x16xf32, #tpu.memory_space<vmem_shared>> -> memref<10240x16xf32, #tpu.memory_space<vmem_shared>>
      %dma_start3A_148 = tpu.memref_slice %arg18[%dma_start3A_138] : memref<4x!tpu.dma_semaphore, #tpu.memory_space<semaphore_mem>> -> memref<1x!tpu.dma_semaphore, #tpu.memory_space<semaphore_mem>>
      %dma_start3A_149 = tpu.memref_squeeze %dma_start3A_148 : memref<1x!tpu.dma_semaphore, #tpu.memory_space<semaphore_mem>> -> memref<!tpu.dma_semaphore, #tpu.memory_space<semaphore_mem>>
      tpu.enqueue_indirect_dma source(%dma_start3A_147 : memref<10240x16xf32, #tpu.memory_space<vmem_shared>>) target(%dma_start3A_141 : memref<625x16xf32, #tpu.memory_space<vmem>>) offsets(%dma_start3A_144 : memref<625xi32, #tpu.memory_space<vmem>>) semaphore(%dma_start3A_149 : memref<!tpu.dma_semaphore, #tpu.memory_space<semaphore_mem>>)
      %mul3A_150 = arith.constant 4 : i32
      %mul3A_151 = arith.muli %scan3A_102, %mul3A_150 : i32
      %add3A_152 = arith.constant 3 : i32
      %add3A_153 = arith.addi %mul3A_151, %add3A_152 : i32
      %dma_start3A_154 = arith.constant 3 : i32
      %dma_start3A_155 = arith.constant 1875 : i32
      %dma_start3A_156 = arith.constant 0 : i32
      %dma_start3A_157 = tpu.memref_slice %arg12[%dma_start3A_155, %dma_start3A_156] : memref<2500x16xf32, #tpu.memory_space<vmem>> -> memref<625x16xf32, #tpu.memory_space<vmem>>
      %dma_start3A_158 = arith.constant 0 : i32
      %dma_start3A_159 = tpu.memref_slice %arg10[%add3A_153, %dma_start3A_158] : memref<32x625xi32, #tpu.memory_space<vmem>> -> memref<1x625xi32, #tpu.memory_space<vmem>>
      %dma_start3A_160 = tpu.memref_squeeze %dma_start3A_159 : memref<1x625xi32, #tpu.memory_space<vmem>> -> memref<625xi32, #tpu.memory_space<vmem>>
      %dma_start3A_161 = arith.constant 0 : i32
      %dma_start3A_162 = arith.constant 0 : i32
      %dma_start3A_163 = tpu.memref_slice %arg21[%dma_start3A_161, %dma_start3A_162] : memref<10240x16xf32, #tpu.memory_space<vmem_shared>> -> memref<10240x16xf32, #tpu.memory_space<vmem_shared>>
      %dma_start3A_164 = tpu.memref_slice %arg18[%dma_start3A_154] : memref<4x!tpu.dma_semaphore, #tpu.memory_space<semaphore_mem>> -> memref<1x!tpu.dma_semaphore, #tpu.memory_space<semaphore_mem>>
      %dma_start3A_165 = tpu.memref_squeeze %dma_start3A_164 : memref<1x!tpu.dma_semaphore, #tpu.memory_space<semaphore_mem>> -> memref<!tpu.dma_semaphore, #tpu.memory_space<semaphore_mem>>
      tpu.enqueue_indirect_dma source(%dma_start3A_163 : memref<10240x16xf32, #tpu.memory_space<vmem_shared>>) target(%dma_start3A_157 : memref<625x16xf32, #tpu.memory_space<vmem>>) offsets(%dma_start3A_160 : memref<625xi32, #tpu.memory_space<vmem>>) semaphore(%dma_start3A_165 : memref<!tpu.dma_semaphore, #tpu.memory_space<semaphore_mem>>)
      %dma_wait3A = arith.constant 0 : i32
      %dma_wait3A_166 = arith.constant 0 : i32
      %dma_wait3A_167 = arith.constant 0 : i32
      %dma_wait3A_168 = tpu.memref_slice %arg12[%dma_wait3A_166, %dma_wait3A_167] : memref<2500x16xf32, #tpu.memory_space<vmem>> -> memref<625x16xf32, #tpu.memory_space<vmem>>
      %dma_wait3A_169 = arith.constant 0 : i32
      %dma_wait3A_170 = tpu.memref_slice %arg10[%add3A_106, %dma_wait3A_169] : memref<32x625xi32, #tpu.memory_space<vmem>> -> memref<1x625xi32, #tpu.memory_space<vmem>>
      %dma_wait3A_171 = tpu.memref_squeeze %dma_wait3A_170 : memref<1x625xi32, #tpu.memory_space<vmem>> -> memref<625xi32, #tpu.memory_space<vmem>>
      %dma_wait3A_172 = arith.constant 0 : i32
      %dma_wait3A_173 = arith.constant 0 : i32
      %dma_wait3A_174 = tpu.memref_slice %arg21[%dma_wait3A_172, %dma_wait3A_173] : memref<10240x16xf32, #tpu.memory_space<vmem_shared>> -> memref<10240x16xf32, #tpu.memory_space<vmem_shared>>
      %dma_wait3A_175 = tpu.memref_slice %arg18[%dma_wait3A] : memref<4x!tpu.dma_semaphore, #tpu.memory_space<semaphore_mem>> -> memref<1x!tpu.dma_semaphore, #tpu.memory_space<semaphore_mem>>
      %dma_wait3A_176 = tpu.memref_squeeze %dma_wait3A_175 : memref<1x!tpu.dma_semaphore, #tpu.memory_space<semaphore_mem>> -> memref<!tpu.dma_semaphore, #tpu.memory_space<semaphore_mem>>
      tpu.wait_indirect_dma semaphore(%dma_wait3A_176 : memref<!tpu.dma_semaphore, #tpu.memory_space<semaphore_mem>>) src(%dma_wait3A_174 : memref<10240x16xf32, #tpu.memory_space<vmem_shared>>) dst(%dma_wait3A_168 : memref<625x16xf32, #tpu.memory_space<vmem>>)
      %mul3A_177 = arith.constant 4 : i32
      %mul3A_178 = arith.muli %scan3A_102, %mul3A_177 : i32
      %add3A_179 = arith.constant 0 : i32
      %add3A_180 = arith.addi %mul3A_178, %add3A_179 : i32
      %dma_start3A_181 = arith.constant 0 : i32
      %dma_start3A_182 = arith.constant 0 : i32
      %dma_start3A_183 = arith.constant 0 : i32
      %dma_start3A_184 = tpu.memref_slice %arg12[%dma_start3A_182, %dma_start3A_183] : memref<2500x16xf32, #tpu.memory_space<vmem>> -> memref<625x16xf32, #tpu.memory_space<vmem>>
      %dma_start3A_185 = arith.constant 0 : i32
      %dma_start3A_186 = tpu.memref_slice %arg11[%add3A_180, %dma_start3A_185] : memref<32x625xi32, #tpu.memory_space<vmem>> -> memref<1x625xi32, #tpu.memory_space<vmem>>
      %dma_start3A_187 = tpu.memref_squeeze %dma_start3A_186 : memref<1x625xi32, #tpu.memory_space<vmem>> -> memref<625xi32, #tpu.memory_space<vmem>>
      %dma_start3A_188 = arith.constant 0 : i32
      %dma_start3A_189 = arith.constant 0 : i32
      %dma_start3A_190 = tpu.memref_slice %arg22[%dma_start3A_188, %dma_start3A_189] : memref<10240x16xf32, #tpu.memory_space<vmem_shared>> -> memref<10240x16xf32, #tpu.memory_space<vmem_shared>>
      %dma_start3A_191 = tpu.memref_slice %arg19[%dma_start3A_181] : memref<4x!tpu.dma_semaphore, #tpu.memory_space<semaphore_mem>> -> memref<1x!tpu.dma_semaphore, #tpu.memory_space<semaphore_mem>>
      %dma_start3A_192 = tpu.memref_squeeze %dma_start3A_191 : memref<1x!tpu.dma_semaphore, #tpu.memory_space<semaphore_mem>> -> memref<!tpu.dma_semaphore, #tpu.memory_space<semaphore_mem>>
      tpu.enqueue_indirect_dma source(%dma_start3A_184 : memref<625x16xf32, #tpu.memory_space<vmem>>) target(%dma_start3A_190 : memref<10240x16xf32, #tpu.memory_space<vmem_shared>>) offsets(%dma_start3A_187 : memref<625xi32, #tpu.memory_space<vmem>>) semaphore(%dma_start3A_192 : memref<!tpu.dma_semaphore, #tpu.memory_space<semaphore_mem>>) {add = true}
      %dma_wait3A_193 = arith.constant 1 : i32
      %dma_wait3A_194 = arith.constant 625 : i32
      %dma_wait3A_195 = arith.constant 0 : i32
      %dma_wait3A_196 = tpu.memref_slice %arg12[%dma_wait3A_194, %dma_wait3A_195] : memref<2500x16xf32, #tpu.memory_space<vmem>> -> memref<625x16xf32, #tpu.memory_space<vmem>>
      %dma_wait3A_197 = arith.constant 0 : i32
      %dma_wait3A_198 = tpu.memref_slice %arg10[%add3A_121, %dma_wait3A_197] : memref<32x625xi32, #tpu.memory_space<vmem>> -> memref<1x625xi32, #tpu.memory_space<vmem>>
      %dma_wait3A_199 = tpu.memref_squeeze %dma_wait3A_198 : memref<1x625xi32, #tpu.memory_space<vmem>> -> memref<625xi32, #tpu.memory_space<vmem>>
      %dma_wait3A_200 = arith.constant 0 : i32
      %dma_wait3A_201 = arith.constant 0 : i32
      %dma_wait3A_202 = tpu.memref_slice %arg21[%dma_wait3A_200, %dma_wait3A_201] : memref<10240x16xf32, #tpu.memory_space<vmem_shared>> -> memref<10240x16xf32, #tpu.memory_space<vmem_shared>>
      %dma_wait3A_203 = tpu.memref_slice %arg18[%dma_wait3A_193] : memref<4x!tpu.dma_semaphore, #tpu.memory_space<semaphore_mem>> -> memref<1x!tpu.dma_semaphore, #tpu.memory_space<semaphore_mem>>
      %dma_wait3A_204 = tpu.memref_squeeze %dma_wait3A_203 : memref<1x!tpu.dma_semaphore, #tpu.memory_space<semaphore_mem>> -> memref<!tpu.dma_semaphore, #tpu.memory_space<semaphore_mem>>
      tpu.wait_indirect_dma semaphore(%dma_wait3A_204 : memref<!tpu.dma_semaphore, #tpu.memory_space<semaphore_mem>>) src(%dma_wait3A_202 : memref<10240x16xf32, #tpu.memory_space<vmem_shared>>) dst(%dma_wait3A_196 : memref<625x16xf32, #tpu.memory_space<vmem>>)
      %mul3A_205 = arith.constant 4 : i32
      %mul3A_206 = arith.muli %scan3A_102, %mul3A_205 : i32
      %add3A_207 = arith.constant 1 : i32
      %add3A_208 = arith.addi %mul3A_206, %add3A_207 : i32
      %dma_start3A_209 = arith.constant 1 : i32
      %dma_start3A_210 = arith.constant 625 : i32
      %dma_start3A_211 = arith.constant 0 : i32
      %dma_start3A_212 = tpu.memref_slice %arg12[%dma_start3A_210, %dma_start3A_211] : memref<2500x16xf32, #tpu.memory_space<vmem>> -> memref<625x16xf32, #tpu.memory_space<vmem>>
      %dma_start3A_213 = arith.constant 0 : i32
      %dma_start3A_214 = tpu.memref_slice %arg11[%add3A_208, %dma_start3A_213] : memref<32x625xi32, #tpu.memory_space<vmem>> -> memref<1x625xi32, #tpu.memory_space<vmem>>
      %dma_start3A_215 = tpu.memref_squeeze %dma_start3A_214 : memref<1x625xi32, #tpu.memory_space<vmem>> -> memref<625xi32, #tpu.memory_space<vmem>>
      %dma_start3A_216 = arith.constant 0 : i32
      %dma_start3A_217 = arith.constant 0 : i32
      %dma_start3A_218 = tpu.memref_slice %arg22[%dma_start3A_216, %dma_start3A_217] : memref<10240x16xf32, #tpu.memory_space<vmem_shared>> -> memref<10240x16xf32, #tpu.memory_space<vmem_shared>>
      %dma_start3A_219 = tpu.memref_slice %arg19[%dma_start3A_209] : memref<4x!tpu.dma_semaphore, #tpu.memory_space<semaphore_mem>> -> memref<1x!tpu.dma_semaphore, #tpu.memory_space<semaphore_mem>>
      %dma_start3A_220 = tpu.memref_squeeze %dma_start3A_219 : memref<1x!tpu.dma_semaphore, #tpu.memory_space<semaphore_mem>> -> memref<!tpu.dma_semaphore, #tpu.memory_space<semaphore_mem>>
      tpu.enqueue_indirect_dma source(%dma_start3A_212 : memref<625x16xf32, #tpu.memory_space<vmem>>) target(%dma_start3A_218 : memref<10240x16xf32, #tpu.memory_space<vmem_shared>>) offsets(%dma_start3A_215 : memref<625xi32, #tpu.memory_space<vmem>>) semaphore(%dma_start3A_220 : memref<!tpu.dma_semaphore, #tpu.memory_space<semaphore_mem>>) {add = true}
      %dma_wait3A_221 = arith.constant 2 : i32
      %dma_wait3A_222 = arith.constant 1250 : i32
      %dma_wait3A_223 = arith.constant 0 : i32
      %dma_wait3A_224 = tpu.memref_slice %arg12[%dma_wait3A_222, %dma_wait3A_223] : memref<2500x16xf32, #tpu.memory_space<vmem>> -> memref<625x16xf32, #tpu.memory_space<vmem>>
      %dma_wait3A_225 = arith.constant 0 : i32
      %dma_wait3A_226 = tpu.memref_slice %arg10[%add3A_137, %dma_wait3A_225] : memref<32x625xi32, #tpu.memory_space<vmem>> -> memref<1x625xi32, #tpu.memory_space<vmem>>
      %dma_wait3A_227 = tpu.memref_squeeze %dma_wait3A_226 : memref<1x625xi32, #tpu.memory_space<vmem>> -> memref<625xi32, #tpu.memory_space<vmem>>
      %dma_wait3A_228 = arith.constant 0 : i32
      %dma_wait3A_229 = arith.constant 0 : i32
      %dma_wait3A_230 = tpu.memref_slice %arg21[%dma_wait3A_228, %dma_wait3A_229] : memref<10240x16xf32, #tpu.memory_space<vmem_shared>> -> memref<10240x16xf32, #tpu.memory_space<vmem_shared>>
      %dma_wait3A_231 = tpu.memref_slice %arg18[%dma_wait3A_221] : memref<4x!tpu.dma_semaphore, #tpu.memory_space<semaphore_mem>> -> memref<1x!tpu.dma_semaphore, #tpu.memory_space<semaphore_mem>>
      %dma_wait3A_232 = tpu.memref_squeeze %dma_wait3A_231 : memref<1x!tpu.dma_semaphore, #tpu.memory_space<semaphore_mem>> -> memref<!tpu.dma_semaphore, #tpu.memory_space<semaphore_mem>>
      tpu.wait_indirect_dma semaphore(%dma_wait3A_232 : memref<!tpu.dma_semaphore, #tpu.memory_space<semaphore_mem>>) src(%dma_wait3A_230 : memref<10240x16xf32, #tpu.memory_space<vmem_shared>>) dst(%dma_wait3A_224 : memref<625x16xf32, #tpu.memory_space<vmem>>)
      %mul3A_233 = arith.constant 4 : i32
      %mul3A_234 = arith.muli %scan3A_102, %mul3A_233 : i32
      %add3A_235 = arith.constant 2 : i32
      %add3A_236 = arith.addi %mul3A_234, %add3A_235 : i32
      %dma_start3A_237 = arith.constant 2 : i32
      %dma_start3A_238 = arith.constant 1250 : i32
      %dma_start3A_239 = arith.constant 0 : i32
      %dma_start3A_240 = tpu.memref_slice %arg12[%dma_start3A_238, %dma_start3A_239] : memref<2500x16xf32, #tpu.memory_space<vmem>> -> memref<625x16xf32, #tpu.memory_space<vmem>>
      %dma_start3A_241 = arith.constant 0 : i32
      %dma_start3A_242 = tpu.memref_slice %arg11[%add3A_236, %dma_start3A_241] : memref<32x625xi32, #tpu.memory_space<vmem>> -> memref<1x625xi32, #tpu.memory_space<vmem>>
      %dma_start3A_243 = tpu.memref_squeeze %dma_start3A_242 : memref<1x625xi32, #tpu.memory_space<vmem>> -> memref<625xi32, #tpu.memory_space<vmem>>
      %dma_start3A_244 = arith.constant 0 : i32
      %dma_start3A_245 = arith.constant 0 : i32
      %dma_start3A_246 = tpu.memref_slice %arg22[%dma_start3A_244, %dma_start3A_245] : memref<10240x16xf32, #tpu.memory_space<vmem_shared>> -> memref<10240x16xf32, #tpu.memory_space<vmem_shared>>
      %dma_start3A_247 = tpu.memref_slice %arg19[%dma_start3A_237] : memref<4x!tpu.dma_semaphore, #tpu.memory_space<semaphore_mem>> -> memref<1x!tpu.dma_semaphore, #tpu.memory_space<semaphore_mem>>
      %dma_start3A_248 = tpu.memref_squeeze %dma_start3A_247 : memref<1x!tpu.dma_semaphore, #tpu.memory_space<semaphore_mem>> -> memref<!tpu.dma_semaphore, #tpu.memory_space<semaphore_mem>>
      tpu.enqueue_indirect_dma source(%dma_start3A_240 : memref<625x16xf32, #tpu.memory_space<vmem>>) target(%dma_start3A_246 : memref<10240x16xf32, #tpu.memory_space<vmem_shared>>) offsets(%dma_start3A_243 : memref<625xi32, #tpu.memory_space<vmem>>) semaphore(%dma_start3A_248 : memref<!tpu.dma_semaphore, #tpu.memory_space<semaphore_mem>>) {add = true}
      %dma_wait3A_249 = arith.constant 3 : i32
      %dma_wait3A_250 = arith.constant 1875 : i32
      %dma_wait3A_251 = arith.constant 0 : i32
      %dma_wait3A_252 = tpu.memref_slice %arg12[%dma_wait3A_250, %dma_wait3A_251] : memref<2500x16xf32, #tpu.memory_space<vmem>> -> memref<625x16xf32, #tpu.memory_space<vmem>>
      %dma_wait3A_253 = arith.constant 0 : i32
      %dma_wait3A_254 = tpu.memref_slice %arg10[%add3A_153, %dma_wait3A_253] : memref<32x625xi32, #tpu.memory_space<vmem>> -> memref<1x625xi32, #tpu.memory_space<vmem>>
      %dma_wait3A_255 = tpu.memref_squeeze %dma_wait3A_254 : memref<1x625xi32, #tpu.memory_space<vmem>> -> memref<625xi32, #tpu.memory_space<vmem>>
      %dma_wait3A_256 = arith.constant 0 : i32
      %dma_wait3A_257 = arith.constant 0 : i32
      %dma_wait3A_258 = tpu.memref_slice %arg21[%dma_wait3A_256, %dma_wait3A_257] : memref<10240x16xf32, #tpu.memory_space<vmem_shared>> -> memref<10240x16xf32, #tpu.memory_space<vmem_shared>>
      %dma_wait3A_259 = tpu.memref_slice %arg18[%dma_wait3A_249] : memref<4x!tpu.dma_semaphore, #tpu.memory_space<semaphore_mem>> -> memref<1x!tpu.dma_semaphore, #tpu.memory_space<semaphore_mem>>
      %dma_wait3A_260 = tpu.memref_squeeze %dma_wait3A_259 : memref<1x!tpu.dma_semaphore, #tpu.memory_space<semaphore_mem>> -> memref<!tpu.dma_semaphore, #tpu.memory_space<semaphore_mem>>
      tpu.wait_indirect_dma semaphore(%dma_wait3A_260 : memref<!tpu.dma_semaphore, #tpu.memory_space<semaphore_mem>>) src(%dma_wait3A_258 : memref<10240x16xf32, #tpu.memory_space<vmem_shared>>) dst(%dma_wait3A_252 : memref<625x16xf32, #tpu.memory_space<vmem>>)
      %mul3A_261 = arith.constant 4 : i32
      %mul3A_262 = arith.muli %scan3A_102, %mul3A_261 : i32
      %add3A_263 = arith.constant 3 : i32
      %add3A_264 = arith.addi %mul3A_262, %add3A_263 : i32
      %dma_start3A_265 = arith.constant 3 : i32
      %dma_start3A_266 = arith.constant 1875 : i32
      %dma_start3A_267 = arith.constant 0 : i32
      %dma_start3A_268 = tpu.memref_slice %arg12[%dma_start3A_266, %dma_start3A_267] : memref<2500x16xf32, #tpu.memory_space<vmem>> -> memref<625x16xf32, #tpu.memory_space<vmem>>
      %dma_start3A_269 = arith.constant 0 : i32
      %dma_start3A_270 = tpu.memref_slice %arg11[%add3A_264, %dma_start3A_269] : memref<32x625xi32, #tpu.memory_space<vmem>> -> memref<1x625xi32, #tpu.memory_space<vmem>>
      %dma_start3A_271 = tpu.memref_squeeze %dma_start3A_270 : memref<1x625xi32, #tpu.memory_space<vmem>> -> memref<625xi32, #tpu.memory_space<vmem>>
      %dma_start3A_272 = arith.constant 0 : i32
      %dma_start3A_273 = arith.constant 0 : i32
      %dma_start3A_274 = tpu.memref_slice %arg22[%dma_start3A_272, %dma_start3A_273] : memref<10240x16xf32, #tpu.memory_space<vmem_shared>> -> memref<10240x16xf32, #tpu.memory_space<vmem_shared>>
      %dma_start3A_275 = tpu.memref_slice %arg19[%dma_start3A_265] : memref<4x!tpu.dma_semaphore, #tpu.memory_space<semaphore_mem>> -> memref<1x!tpu.dma_semaphore, #tpu.memory_space<semaphore_mem>>
      %dma_start3A_276 = tpu.memref_squeeze %dma_start3A_275 : memref<1x!tpu.dma_semaphore, #tpu.memory_space<semaphore_mem>> -> memref<!tpu.dma_semaphore, #tpu.memory_space<semaphore_mem>>
      tpu.enqueue_indirect_dma source(%dma_start3A_268 : memref<625x16xf32, #tpu.memory_space<vmem>>) target(%dma_start3A_274 : memref<10240x16xf32, #tpu.memory_space<vmem_shared>>) offsets(%dma_start3A_271 : memref<625xi32, #tpu.memory_space<vmem>>) semaphore(%dma_start3A_276 : memref<!tpu.dma_semaphore, #tpu.memory_space<semaphore_mem>>) {add = true}
      %dma_wait3A_277 = arith.constant 0 : i32
      %dma_wait3A_278 = arith.constant 0 : i32
      %dma_wait3A_279 = arith.constant 0 : i32
      %dma_wait3A_280 = tpu.memref_slice %arg12[%dma_wait3A_278, %dma_wait3A_279] : memref<2500x16xf32, #tpu.memory_space<vmem>> -> memref<625x16xf32, #tpu.memory_space<vmem>>
      %dma_wait3A_281 = arith.constant 0 : i32
      %dma_wait3A_282 = tpu.memref_slice %arg11[%add3A_180, %dma_wait3A_281] : memref<32x625xi32, #tpu.memory_space<vmem>> -> memref<1x625xi32, #tpu.memory_space<vmem>>
      %dma_wait3A_283 = tpu.memref_squeeze %dma_wait3A_282 : memref<1x625xi32, #tpu.memory_space<vmem>> -> memref<625xi32, #tpu.memory_space<vmem>>
      %dma_wait3A_284 = arith.constant 0 : i32
      %dma_wait3A_285 = arith.constant 0 : i32
      %dma_wait3A_286 = tpu.memref_slice %arg22[%dma_wait3A_284, %dma_wait3A_285] : memref<10240x16xf32, #tpu.memory_space<vmem_shared>> -> memref<10240x16xf32, #tpu.memory_space<vmem_shared>>
      %dma_wait3A_287 = tpu.memref_slice %arg19[%dma_wait3A_277] : memref<4x!tpu.dma_semaphore, #tpu.memory_space<semaphore_mem>> -> memref<1x!tpu.dma_semaphore, #tpu.memory_space<semaphore_mem>>
      %dma_wait3A_288 = tpu.memref_squeeze %dma_wait3A_287 : memref<1x!tpu.dma_semaphore, #tpu.memory_space<semaphore_mem>> -> memref<!tpu.dma_semaphore, #tpu.memory_space<semaphore_mem>>
      tpu.wait_indirect_dma semaphore(%dma_wait3A_288 : memref<!tpu.dma_semaphore, #tpu.memory_space<semaphore_mem>>) src(%dma_wait3A_280 : memref<625x16xf32, #tpu.memory_space<vmem>>) dst(%dma_wait3A_286 : memref<10240x16xf32, #tpu.memory_space<vmem_shared>>)
      %dma_wait3A_289 = arith.constant 1 : i32
      %dma_wait3A_290 = arith.constant 625 : i32
      %dma_wait3A_291 = arith.constant 0 : i32
      %dma_wait3A_292 = tpu.memref_slice %arg12[%dma_wait3A_290, %dma_wait3A_291] : memref<2500x16xf32, #tpu.memory_space<vmem>> -> memref<625x16xf32, #tpu.memory_space<vmem>>
      %dma_wait3A_293 = arith.constant 0 : i32
      %dma_wait3A_294 = tpu.memref_slice %arg11[%add3A_208, %dma_wait3A_293] : memref<32x625xi32, #tpu.memory_space<vmem>> -> memref<1x625xi32, #tpu.memory_space<vmem>>
      %dma_wait3A_295 = tpu.memref_squeeze %dma_wait3A_294 : memref<1x625xi32, #tpu.memory_space<vmem>> -> memref<625xi32, #tpu.memory_space<vmem>>
      %dma_wait3A_296 = arith.constant 0 : i32
      %dma_wait3A_297 = arith.constant 0 : i32
      %dma_wait3A_298 = tpu.memref_slice %arg22[%dma_wait3A_296, %dma_wait3A_297] : memref<10240x16xf32, #tpu.memory_space<vmem_shared>> -> memref<10240x16xf32, #tpu.memory_space<vmem_shared>>
      %dma_wait3A_299 = tpu.memref_slice %arg19[%dma_wait3A_289] : memref<4x!tpu.dma_semaphore, #tpu.memory_space<semaphore_mem>> -> memref<1x!tpu.dma_semaphore, #tpu.memory_space<semaphore_mem>>
      %dma_wait3A_300 = tpu.memref_squeeze %dma_wait3A_299 : memref<1x!tpu.dma_semaphore, #tpu.memory_space<semaphore_mem>> -> memref<!tpu.dma_semaphore, #tpu.memory_space<semaphore_mem>>
      tpu.wait_indirect_dma semaphore(%dma_wait3A_300 : memref<!tpu.dma_semaphore, #tpu.memory_space<semaphore_mem>>) src(%dma_wait3A_292 : memref<625x16xf32, #tpu.memory_space<vmem>>) dst(%dma_wait3A_298 : memref<10240x16xf32, #tpu.memory_space<vmem_shared>>)
      %dma_wait3A_301 = arith.constant 2 : i32
      %dma_wait3A_302 = arith.constant 1250 : i32
      %dma_wait3A_303 = arith.constant 0 : i32
      %dma_wait3A_304 = tpu.memref_slice %arg12[%dma_wait3A_302, %dma_wait3A_303] : memref<2500x16xf32, #tpu.memory_space<vmem>> -> memref<625x16xf32, #tpu.memory_space<vmem>>
      %dma_wait3A_305 = arith.constant 0 : i32
      %dma_wait3A_306 = tpu.memref_slice %arg11[%add3A_236, %dma_wait3A_305] : memref<32x625xi32, #tpu.memory_space<vmem>> -> memref<1x625xi32, #tpu.memory_space<vmem>>
      %dma_wait3A_307 = tpu.memref_squeeze %dma_wait3A_306 : memref<1x625xi32, #tpu.memory_space<vmem>> -> memref<625xi32, #tpu.memory_space<vmem>>
      %dma_wait3A_308 = arith.constant 0 : i32
      %dma_wait3A_309 = arith.constant 0 : i32
      %dma_wait3A_310 = tpu.memref_slice %arg22[%dma_wait3A_308, %dma_wait3A_309] : memref<10240x16xf32, #tpu.memory_space<vmem_shared>> -> memref<10240x16xf32, #tpu.memory_space<vmem_shared>>
      %dma_wait3A_311 = tpu.memref_slice %arg19[%dma_wait3A_301] : memref<4x!tpu.dma_semaphore, #tpu.memory_space<semaphore_mem>> -> memref<1x!tpu.dma_semaphore, #tpu.memory_space<semaphore_mem>>
      %dma_wait3A_312 = tpu.memref_squeeze %dma_wait3A_311 : memref<1x!tpu.dma_semaphore, #tpu.memory_space<semaphore_mem>> -> memref<!tpu.dma_semaphore, #tpu.memory_space<semaphore_mem>>
      tpu.wait_indirect_dma semaphore(%dma_wait3A_312 : memref<!tpu.dma_semaphore, #tpu.memory_space<semaphore_mem>>) src(%dma_wait3A_304 : memref<625x16xf32, #tpu.memory_space<vmem>>) dst(%dma_wait3A_310 : memref<10240x16xf32, #tpu.memory_space<vmem_shared>>)
      %dma_wait3A_313 = arith.constant 3 : i32
      %dma_wait3A_314 = arith.constant 1875 : i32
      %dma_wait3A_315 = arith.constant 0 : i32
      %dma_wait3A_316 = tpu.memref_slice %arg12[%dma_wait3A_314, %dma_wait3A_315] : memref<2500x16xf32, #tpu.memory_space<vmem>> -> memref<625x16xf32, #tpu.memory_space<vmem>>
      %dma_wait3A_317 = arith.constant 0 : i32
      %dma_wait3A_318 = tpu.memref_slice %arg11[%add3A_264, %dma_wait3A_317] : memref<32x625xi32, #tpu.memory_space<vmem>> -> memref<1x625xi32, #tpu.memory_space<vmem>>
      %dma_wait3A_319 = tpu.memref_squeeze %dma_wait3A_318 : memref<1x625xi32, #tpu.memory_space<vmem>> -> memref<625xi32, #tpu.memory_space<vmem>>
      %dma_wait3A_320 = arith.constant 0 : i32
      %dma_wait3A_321 = arith.constant 0 : i32
      %dma_wait3A_322 = tpu.memref_slice %arg22[%dma_wait3A_320, %dma_wait3A_321] : memref<10240x16xf32, #tpu.memory_space<vmem_shared>> -> memref<10240x16xf32, #tpu.memory_space<vmem_shared>>
      %dma_wait3A_323 = tpu.memref_slice %arg19[%dma_wait3A_313] : memref<4x!tpu.dma_semaphore, #tpu.memory_space<semaphore_mem>> -> memref<1x!tpu.dma_semaphore, #tpu.memory_space<semaphore_mem>>
      %dma_wait3A_324 = tpu.memref_squeeze %dma_wait3A_323 : memref<1x!tpu.dma_semaphore, #tpu.memory_space<semaphore_mem>> -> memref<!tpu.dma_semaphore, #tpu.memory_space<semaphore_mem>>
      tpu.wait_indirect_dma semaphore(%dma_wait3A_324 : memref<!tpu.dma_semaphore, #tpu.memory_space<semaphore_mem>>) src(%dma_wait3A_316 : memref<625x16xf32, #tpu.memory_space<vmem>>) dst(%dma_wait3A_322 : memref<10240x16xf32, #tpu.memory_space<vmem_shared>>)
      %scan3A_325 = arith.constant 0 : i32
      scf.yield %scan3A_325 : i32
    }
    %scan3A_65 = arith.constant 8 : i32
    %barrier3A_66 = arith.constant 0 : index
    tpu.barrier barrier_id(%barrier3A_66)
    "tpu.region"() ({
      %run_scoped3A_102 = tpu.sem_alloc : memref<!tpu.dma_semaphore, #tpu.memory_space<semaphore_mem>>
      %dma_start3A = arith.constant 0 : i32
      %dma_start3A_103 = tpu.memref_slice %arg22[%mul3A_0, %dma_start3A] : memref<10240x16xf32, #tpu.memory_space<vmem_shared>> -> memref<640x16xf32, #tpu.memory_space<vmem_shared>>
      %dma_start3A_104 = arith.constant 0 : i32
      %dma_start3A_105 = tpu.memref_slice %arg22[%mul3A_0, %dma_start3A_104] : memref<10240x16xf32, #tpu.memory_space<vmem_shared>> -> memref<640x16xf32, #tpu.memory_space<vmem_shared>>
      tpu.enqueue_dma source(%dma_start3A_105 : memref<640x16xf32, #tpu.memory_space<vmem_shared>>) target(%arg14 : memref<640x16xf32, #tpu.memory_space<vmem>>) target_semaphore(%run_scoped3A_102 : memref<!tpu.dma_semaphore, #tpu.memory_space<semaphore_mem>>)
      %dma_wait3A = arith.constant 0 : i32
      %dma_wait3A_106 = tpu.memref_slice %arg22[%mul3A_0, %dma_wait3A] : memref<10240x16xf32, #tpu.memory_space<vmem_shared>> -> memref<640x16xf32, #tpu.memory_space<vmem_shared>>
      %dma_wait3A_107 = arith.constant 0 : i32
      %dma_wait3A_108 = tpu.memref_slice %arg22[%mul3A_0, %dma_wait3A_107] : memref<10240x16xf32, #tpu.memory_space<vmem_shared>> -> memref<640x16xf32, #tpu.memory_space<vmem_shared>>
      tpu.wait_dma2 semaphore(%run_scoped3A_102 : memref<!tpu.dma_semaphore, #tpu.memory_space<semaphore_mem>>) src(%dma_wait3A_108 : memref<640x16xf32, #tpu.memory_space<vmem_shared>>) dst(%arg14 : memref<640x16xf32, #tpu.memory_space<vmem>>)
      tpu.yield
    }) : () -> ()
    %scan3A_67 = arith.constant 0 : i32
    %scan3A_68 = arith.constant 0 : i32
    %scan3A_69 = arith.constant 640 : i32
    %scan3A_70 = arith.addi %scan3A_68, %scan3A_69 : i32
    %scan3A_71 = arith.constant 1 : i32
    %scan3A_72 = scf.for %scan3A_102 = %scan3A_68 to %scan3A_70 step %scan3A_71 iter_args(%scan3A_103 = %scan3A_67) -> (i32)  : i32 {
      %broadcast_in_dim3A = vector.broadcast %scan3A_102 : i32 to vector<16xi32>
      %gather3A = tpu.vector_load_idx %arg16[%broadcast_in_dim3A] : memref<640xf32, #tpu.memory_space<vmem>>[vector<16xi32>], vector<16xf32>,
      %get3A = arith.index_cast %scan3A_102 : i32 to index
      %get3A_104 = arith.constant 0 : index
      %get3A_105 = tpu.vector_load %arg14[%get3A, %get3A_104] {strides = array<i32>} : memref<640x16xf32, #tpu.memory_space<vmem>>, vector<16xf32>,
      %mul3A_106 = arith.mulf %gather3A, %get3A_105 : vector<16xf32>
      %neg3A = arith.constant 0.000000e+00 : f32
      %neg3A_107 = vector.broadcast %neg3A : f32 to vector<16xf32>
      %neg3A_108 = arith.subf %neg3A_107, %mul3A_106 : vector<16xf32>
      %swap3A = arith.index_cast %scan3A_102 : i32 to index
      %swap3A_109 = arith.constant 0 : index
      %swap3A_110 = tpu.vector_load %arg14[%swap3A, %swap3A_109] {strides = array<i32>} : memref<640x16xf32, #tpu.memory_space<vmem>>, vector<16xf32>,
      tpu.vector_store %arg14[%swap3A, %swap3A_109], %neg3A_108 {strides = array<i32>} : memref<640x16xf32, #tpu.memory_space<vmem>>, vector<16xf32>,
      %scan3A_111 = arith.constant 0 : i32
      scf.yield %scan3A_111 : i32
    }
    %scan3A_73 = arith.constant 640 : i32
    %jit3A_74 = arith.constant 8 : i32
    %div3A_75 = arith.divsi %arg1, %jit3A_74 : i32
    %sign3A_76 = arith.constant 0 : i32
    %sign3A_77 = arith.cmpi sgt, %arg1, %sign3A_76 : i32
    %sign3A_78 = arith.extui %sign3A_77 : i1 to i32
    %sign3A_79 = arith.constant 0 : i32
    %sign3A_80 = arith.cmpi slt, %arg1, %sign3A_79 : i32
    %sign3A_81 = arith.extui %sign3A_80 : i1 to i32
    %sign3A_82 = arith.subi %sign3A_78, %sign3A_81 : i32
    %sign3A_83 = arith.constant 0 : i32
    %sign3A_84 = arith.cmpi sgt, %jit3A_74, %sign3A_83 : i32
    %sign3A_85 = arith.extui %sign3A_84 : i1 to i32
    %sign3A_86 = arith.constant 0 : i32
    %sign3A_87 = arith.cmpi slt, %jit3A_74, %sign3A_86 : i32
    %sign3A_88 = arith.extui %sign3A_87 : i1 to i32
    %sign3A_89 = arith.subi %sign3A_85, %sign3A_88 : i32
    %ne3A_90 = arith.cmpi ne, %sign3A_82, %sign3A_89 : i32
    %rem3A_91 = arith.remsi %arg1, %jit3A_74 : i32
    %ne3A_92 = arith.constant 0 : i32
    %ne3A_93 = arith.cmpi ne, %rem3A_91, %ne3A_92 : i32
    %and3A_94 = arith.andi %ne3A_90, %ne3A_93 : i1
    %sub3A_95 = arith.constant 1 : i32
    %sub3A_96 = arith.subi %div3A_75, %sub3A_95 : i32
    %select_n3A_97 = arith.select %and3A_94, %sub3A_96, %div3A_75 : i32
    %eq3A_98 = arith.cmpi eq, %select_n3A_97, %arg0 : i32
    %convert_element_type3A_99 = arith.extui %eq3A_98 : i1 to i32
    %cond3A_100 = arith.constant 0 : i32
    %cond3A_101 = arith.cmpi ne, %convert_element_type3A_99, %cond3A_100 : i32
    scf.if %cond3A_101 {
      "tpu.region"() ({
        %run_scoped3A_102 = tpu.sem_alloc : memref<!tpu.dma_semaphore, #tpu.memory_space<semaphore_mem>>
        %dma_start3A = arith.constant 0 : i32
        %dma_start3A_103 = tpu.memref_slice %arg9[%mul3A_0, %dma_start3A] : memref<10240x16xf32, #tpu.memory_space<hbm>> -> memref<640x16xf32, #tpu.memory_space<hbm>>
        %dma_start3A_104 = arith.constant 0 : i32
        %dma_start3A_105 = tpu.memref_slice %arg9[%mul3A_0, %dma_start3A_104] : memref<10240x16xf32, #tpu.memory_space<hbm>> -> memref<640x16xf32, #tpu.memory_space<hbm>>
        tpu.enqueue_dma source(%arg14 : memref<640x16xf32, #tpu.memory_space<vmem>>) target(%dma_start3A_105 : memref<640x16xf32, #tpu.memory_space<hbm>>) target_semaphore(%run_scoped3A_102 : memref<!tpu.dma_semaphore, #tpu.memory_space<semaphore_mem>>)
        %dma_wait3A = arith.constant 0 : i32
        %dma_wait3A_106 = tpu.memref_slice %arg9[%mul3A_0, %dma_wait3A] : memref<10240x16xf32, #tpu.memory_space<hbm>> -> memref<640x16xf32, #tpu.memory_space<hbm>>
        %dma_wait3A_107 = arith.constant 0 : i32
        %dma_wait3A_108 = tpu.memref_slice %arg9[%mul3A_0, %dma_wait3A_107] : memref<10240x16xf32, #tpu.memory_space<hbm>> -> memref<640x16xf32, #tpu.memory_space<hbm>>
        tpu.wait_dma2 semaphore(%run_scoped3A_102 : memref<!tpu.dma_semaphore, #tpu.memory_space<semaphore_mem>>) src(%arg14 : memref<640x16xf32, #tpu.memory_space<vmem>>) dst(%dma_wait3A_108 : memref<640x16xf32, #tpu.memory_space<hbm>>)
        tpu.yield
      }) : () -> ()
    } else {
    }
    return
  }
}

module attributes {stable_mosaic.version = 14 : i64} {
  func.func @_tc_a(%arg0: memref<10000x128xf32, #tpu.memory_space<vmem>>, %arg1: memref<128x16xf32, #tpu.memory_space<vmem>>, %arg2: memref<128x16xf32, #tpu.memory_space<vmem>>, %arg3: memref<1x16xf32, #tpu.memory_space<vmem>>, %arg4: memref<10240x16xf32, #tpu.memory_space<vmem>>, %arg5: memref<10240x16xf32, #tpu.memory_space<vmem>>) attributes {dimension_semantics = [], scalar_prefetch = 0 : i64, scratch_operands = 0 : i64, tpu.core_type = #tpu.core_type<tc>} {
    %get3A = arith.constant 0 : index
    %get3A_0 = arith.constant 0 : index
    %get3A_1 = vector.load %arg0[%get3A, %get3A_0] : memref<10000x128xf32, #tpu.memory_space<vmem>>, vector<10000x128xf32>
    %get3A_2 = arith.constant 0 : index
    %get3A_3 = arith.constant 0 : index
    %get3A_4 = vector.load %arg1[%get3A_2, %get3A_3] : memref<128x16xf32, #tpu.memory_space<vmem>>, vector<128x16xf32>
    %dot_general3A = arith.constant dense<0.000000e+00> : vector<10000x16xf32>
    %dot_general3A_5 = tpu.matmul %get3A_1, %get3A_4, %dot_general3A {dimension_numbers = #tpu.dot_dimension_numbers<[1], [0], [0], [1], [0, 0, 1, 1], [], []>, transpose_lhs_hint = false} : vector<10000x128xf32>, vector<128x16xf32>, vector<10000x16xf32> -> vector<10000x16xf32>
    %get3A_6 = arith.constant 0 : index
    %get3A_7 = arith.constant 0 : index
    %get3A_8 = vector.load %arg3[%get3A_6, %get3A_7] : memref<1x16xf32, #tpu.memory_space<vmem>>, vector<1x16xf32>
    %add3A = vector.broadcast %get3A_8 : vector<1x16xf32> to vector<10000x16xf32>
    %add3A_9 = arith.addf %dot_general3A_5, %add3A : vector<10000x16xf32>
    %swap3A = arith.constant 0 : index
    %swap3A_10 = arith.constant 0 : index
    %swap3A_11 = vector.load %arg4[%swap3A, %swap3A_10] : memref<10240x16xf32, #tpu.memory_space<vmem>>, vector<10000x16xf32>
    tpu.vector_store %arg4[%swap3A, %swap3A_10], %add3A_9 {strides = array<i32>} : memref<10240x16xf32, #tpu.memory_space<vmem>>, vector<10000x16xf32>,
    %get3A_12 = arith.constant 0 : index
    %get3A_13 = arith.constant 0 : index
    %get3A_14 = vector.load %arg2[%get3A_12, %get3A_13] : memref<128x16xf32, #tpu.memory_space<vmem>>, vector<128x16xf32>
    %dot_general3A_15 = arith.constant dense<0.000000e+00> : vector<10000x16xf32>
    %dot_general3A_16 = tpu.matmul %get3A_1, %get3A_14, %dot_general3A_15 {dimension_numbers = #tpu.dot_dimension_numbers<[1], [0], [0], [1], [0, 0, 1, 1], [], []>, transpose_lhs_hint = false} : vector<10000x128xf32>, vector<128x16xf32>, vector<10000x16xf32> -> vector<10000x16xf32>
    %swap3A_17 = arith.constant 0 : index
    %swap3A_18 = arith.constant 0 : index
    %swap3A_19 = vector.load %arg5[%swap3A_17, %swap3A_18] : memref<10240x16xf32, #tpu.memory_space<vmem>>, vector<10000x16xf32>
    tpu.vector_store %arg5[%swap3A_17, %swap3A_18], %dot_general3A_16 {strides = array<i32>} : memref<10240x16xf32, #tpu.memory_space<vmem>>, vector<10000x16xf32>,
    %broadcast_in_dim3A = arith.constant 0.000000e+00 : f32
    %broadcast_in_dim3A_20 = vector.broadcast %broadcast_in_dim3A : f32 to vector<240x16xf32>
    %swap3A_21 = arith.constant 10000 : index
    %swap3A_22 = arith.constant 0 : index
    %swap3A_23 = vector.load %arg4[%swap3A_21, %swap3A_22] : memref<10240x16xf32, #tpu.memory_space<vmem>>, vector<240x16xf32>
    tpu.vector_store %arg4[%swap3A_21, %swap3A_22], %broadcast_in_dim3A_20 {strides = array<i32>} : memref<10240x16xf32, #tpu.memory_space<vmem>>, vector<240x16xf32>,
    %swap3A_24 = arith.constant 10000 : index
    %swap3A_25 = arith.constant 0 : index
    %swap3A_26 = vector.load %arg5[%swap3A_24, %swap3A_25] : memref<10240x16xf32, #tpu.memory_space<vmem>>, vector<240x16xf32>
    tpu.vector_store %arg5[%swap3A_24, %swap3A_25], %broadcast_in_dim3A_20 {strides = array<i32>} : memref<10240x16xf32, #tpu.memory_space<vmem>>, vector<240x16xf32>,
    return
  }
}

module attributes {stable_mosaic.version = 14 : i64} {
  func.func @_tc_d(%arg0: memref<10240x16xf32, #tpu.memory_space<vmem>>, %arg1: memref<10240x16xf32, #tpu.memory_space<vmem>>, %arg2: memref<16x128xf32, #tpu.memory_space<vmem>>, %arg3: memref<16x128xf32, #tpu.memory_space<vmem>>, %arg4: memref<1x128xf32, #tpu.memory_space<vmem>>, %arg5: memref<10000x128xf32, #tpu.memory_space<vmem>>) attributes {dimension_semantics = [], scalar_prefetch = 0 : i64, scratch_operands = 0 : i64, tpu.core_type = #tpu.core_type<tc>} {
    %get3A = arith.constant 0 : index
    %get3A_0 = arith.constant 0 : index
    %get3A_1 = vector.load %arg0[%get3A, %get3A_0] : memref<10240x16xf32, #tpu.memory_space<vmem>>, vector<10000x16xf32>
    %get3A_2 = arith.constant 0 : index
    %get3A_3 = arith.constant 0 : index
    %get3A_4 = vector.load %arg1[%get3A_2, %get3A_3] : memref<10240x16xf32, #tpu.memory_space<vmem>>, vector<10000x16xf32>
    %get3A_5 = arith.constant 0 : index
    %get3A_6 = arith.constant 0 : index
    %get3A_7 = vector.load %arg2[%get3A_5, %get3A_6] : memref<16x128xf32, #tpu.memory_space<vmem>>, vector<16x128xf32>
    %dot_general3A = arith.constant dense<0.000000e+00> : vector<10000x128xf32>
    %dot_general3A_8 = tpu.matmul %get3A_1, %get3A_7, %dot_general3A {dimension_numbers = #tpu.dot_dimension_numbers<[1], [0], [0], [1], [0, 0, 1, 1], [], []>, transpose_lhs_hint = false} : vector<10000x16xf32>, vector<16x128xf32>, vector<10000x128xf32> -> vector<10000x128xf32>
    %get3A_9 = arith.constant 0 : index
    %get3A_10 = arith.constant 0 : index
    %get3A_11 = vector.load %arg3[%get3A_9, %get3A_10] : memref<16x128xf32, #tpu.memory_space<vmem>>, vector<16x128xf32>
    %dot_general3A_12 = arith.constant dense<0.000000e+00> : vector<10000x128xf32>
    %dot_general3A_13 = tpu.matmul %get3A_4, %get3A_11, %dot_general3A_12 {dimension_numbers = #tpu.dot_dimension_numbers<[1], [0], [0], [1], [0, 0, 1, 1], [], []>, transpose_lhs_hint = false} : vector<10000x16xf32>, vector<16x128xf32>, vector<10000x128xf32> -> vector<10000x128xf32>
    %add3A = arith.addf %dot_general3A_8, %dot_general3A_13 : vector<10000x128xf32>
    %get3A_14 = arith.constant 0 : index
    %get3A_15 = arith.constant 0 : index
    %get3A_16 = vector.load %arg4[%get3A_14, %get3A_15] : memref<1x128xf32, #tpu.memory_space<vmem>>, vector<1x128xf32>
    %add3A_17 = vector.broadcast %get3A_16 : vector<1x128xf32> to vector<10000x128xf32>
    %add3A_18 = arith.addf %add3A, %add3A_17 : vector<10000x128xf32>
    %reduce_max3A = arith.constant dense<0xFF800000> : vector<10000xf32>
    %reduce_max3A_19 = vector.multi_reduction <maximumf>, %add3A_18, %reduce_max3A [1] : vector<10000x128xf32> to vector<10000xf32>
    %broadcast_in_dim3A = vector.shape_cast %reduce_max3A_19 : vector<10000xf32> to vector<10000x1xf32>
    %sub3A = vector.broadcast %broadcast_in_dim3A : vector<10000x1xf32> to vector<10000x128xf32>
    %sub3A_20 = arith.subf %add3A_18, %sub3A : vector<10000x128xf32>
    %exp3A = math.exp %sub3A_20 : vector<10000x128xf32>
    %reduce_sum3A = arith.constant dense<0.000000e+00> : vector<10000xf32>
    %reduce_sum3A_21 = vector.multi_reduction <add>, %exp3A, %reduce_sum3A [1] : vector<10000x128xf32> to vector<10000xf32>
    %broadcast_in_dim3A_22 = vector.shape_cast %reduce_sum3A_21 : vector<10000xf32> to vector<10000x1xf32>
    %sub3A_23 = vector.broadcast %broadcast_in_dim3A : vector<10000x1xf32> to vector<10000x128xf32>
    %sub3A_24 = arith.subf %add3A_18, %sub3A_23 : vector<10000x128xf32>
    %log3A = math.log %broadcast_in_dim3A_22 : vector<10000x1xf32>
    %sub3A_25 = vector.broadcast %log3A : vector<10000x1xf32> to vector<10000x128xf32>
    %sub3A_26 = arith.subf %sub3A_24, %sub3A_25 : vector<10000x128xf32>
    %swap3A = arith.constant 0 : index
    %swap3A_27 = arith.constant 0 : index
    %swap3A_28 = vector.load %arg5[%swap3A, %swap3A_27] : memref<10000x128xf32, #tpu.memory_space<vmem>>, vector<10000x128xf32>
    tpu.vector_store %arg5[%swap3A, %swap3A_27], %sub3A_26 {strides = array<i32>} : memref<10000x128xf32, #tpu.memory_space<vmem>>, vector<10000x128xf32>,
    return
  }
}

</mosaic_0001>

<sc_bundles>
// kernel: kernel.5.cloned.1.call-start
scs
__scs_entry_jumppad:
0x0: {  	(pc) =	sbr.rel $0x88, $3  }
0x1: {  	(tag) =	ssettag $0x0;
	lr =	simm.s32 $0x1  }
0x2: {  	[smem:$0x3F99] =	sst lr;
	_ =	strace $0xD0000000  }
0x3: {  	_ = 	snop  }
0x4: {  	_ = 	snop  }
0x5: {  	_ = 	snop  }
0x6: {  	_ = 	snop  }
0x7: {  	_ = 	snop  }
__scs_overlays_trampoline_lowered:
0x8: {  	[smem:$0x3FA8] =	sst s0  }
0x9: {  	[smem:$0x3FA9] =	sst s1  }
0xa: {  	[smem:$0x3FAA] =	sst s2  }
0xb: {  	[smem:$0x3FAB] =	sst s3  }
0xc: {  	[smem:$0x3FAC] =	sst s4  }
0xd: {  	[smem:$0x3FAD] =	sst s5  }
0xe: {  	[smem:$0x3FAE] =	sst s6  }
0xf: {  	[smem:$0x3FAF] =	sst s7  }
0x10: {  	[smem:$0x3FB0] =	sst s8  }
0x11: {  	[smem:$0x3FB1] =	sst s9;
	s0 =	simm.s32 @!p0 $0x0  }
0x12: {  	s1 =	sld [smem:$0x3F97];
	s0 =	simm.s32 @p0 $0x1  }
0x13: {  	[smem:$0x3FB2] =	sst s0;
	s0 =	simm.s32 @!p1 $0x0  }
0x14: {  	s2 =	sld [smem:$0x3F96];
	s0 =	simm.s32 @p1 $0x1  }
0x15: {  	[smem:$0x3FB3] =	sst s0;
	s0 =	simm.s32 @!p2 $0x0  }
0x16: {  	s3 =	sld [smem:$0x3FDB];
	s0 =	simm.s32 @p2 $0x1  }
0x17: {  	s4 =	simm.s32 $0x1BF5;
	[smem:$0x3FB5] =	sst s0  }
0x18: {  	s0 =	sld [smem:$0x3F98];
	_ =	swait.ge [sflag:s4], $0x0  }
0x19: {  	s7 =	sld [smem:$0x3F99]  }
0x1a: {  	s8 =	sadd.s32 $0xFFFFE003, lr  }
0x1b: {  	s9 =	sadd.s32 $0xFFFFFEF7, lr;
	s5 =	simm.s32 $0xFFFFFFFF;
	p2 =	slt.u32 s8, $0xFFFFF086  }
0x1c: {  	p1 =	slt.u32 s9, $0xF7A;
	s5 =	simm.s32 @!p2 $0x0  }
0x1d: {  	s5 =	simm.s32 @p1 $0x1;
	p0 =	seq.s32 s7, s2  }
0x1e: {  	s7 =	smul.u32 @!p0 $0xF7A, s2;
	p2 =	seq.s32 @!p0 s5, $0x0  }
0x1f: {  	s9 =	smul.u32 $0xF7A, s1;
	s8 =	simm.s32 @!p0 $0x1BF5;
	p2 =	por !p2, p0  }
0x20: {  	[sflag:s8] =	ssyncset.s32 @!p0 $0xFFFFF086;
	s6 =	sadd.s32 @!p0 s3, s7;
	s7 =	simm.s32 @!p0 $0x108  }
0x21: {  	s3 =	sadd.s32 s3, s9;
	s6 =	sadd.s32 @!p0 $0x88, s6;
	s7 =	simm.s32 @p2 $0x1082  }
0x22: {  	[simem:s7], [sflag:s8] =	dma.local @!p0 [hbm:s6], $0xF7A  }
0x23: {  	s9 =	sor.u32 $0xD0000000, s2;
	s6 =	simm.s32 $0x108;
	_ =	swait.ge @!p0 [sflag:s8], $0x0  }
0x24: {  	s3 =	sadd.s32 $0x88, s3;
	s6 =	simm.s32 @!p1 $0x1082;
	[sflag:s4] =	ssyncset.s32 $0xFFFFF086  }
0x25: {  	[simem:s6], [sflag:s4] =	dma.local [hbm:s3], $0xF7A  }
0x26: {  	[smem:$0x3F99] =	sst s1;
	(tag) =	ssettag s2;
	_ =	strace s9  }
0x27: {  	s1 =	sld [smem:$0x3FA9]  }
0x28: {  	s2 =	sld [smem:$0x3FAA]  }
0x29: {  	s4 =	sld [smem:$0x3FAC]  }
0x2a: {  	p0 =	seq.s32 s5, $0x0;
	s5 =	sld [smem:$0x3FAD]  }
0x2b: {  	s6 =	sld [smem:$0x3FAE]  }
0x2c: {  	s7 =	sld [smem:$0x3FAF]  }
0x2d: {  	s3 =	simm.s32 $0x108;
	s8 =	sld [smem:$0x3FB0]  }
0x2e: {  	s3 =	simm.s32 @!p0 $0x1082;
	s9 =	sld [smem:$0x3FB1]  }
0x2f: {  	lr =	sadd.s32 s0, s3;
	s0 =	sld [smem:$0x3FA8]  }
0x30: {  	s3 =	sld [smem:$0x3FAB]  }
0x31: {  	[smem:$0x3FB4] =	sst s10  }
0x32: {  	s10 =	sld [smem:$0x3FB2];
	_ =	sdelay $0x3  }
0x33: {  	p0 =	seq.s32 s10, $0x1;
	s10 =	sld [smem:$0x3FB4];
	_ =	sdelay $0x3  }
0x34: {  	[smem:$0x3FB4] =	sst s10  }
0x35: {  	s10 =	sld [smem:$0x3FB3];
	_ =	sdelay $0x3  }
0x36: {  	p1 =	seq.s32 s10, $0x1;
	s10 =	sld [smem:$0x3FB4];
	_ =	sdelay $0x3  }
0x37: {  	[smem:$0x3FB4] =	sst s10  }
0x38: {  	s10 =	sld [smem:$0x3FB5]  }
0x39: {  	_ = 	snop;
	(pc) =	sbr.ind lr, $3  }
0x3a: {  	_ = 	snop  }
0x3b: {  	_ = 	snop  }
0x3c: {  	p2 =	seq.s32 s10, $0x1;
	s10 =	sld [smem:$0x3FB4]  }
0x3d: {  	_ =	shalt  }
0x3e: {  	_ =	shalt  }
0x3f: {  	_ =	shalt  }
0x40: {  	_ =	shalt  }
0x41: {  	_ =	shalt  }
0x42: {  	_ =	shalt  }
0x43: {  	_ =	shalt  }
0x44: {  	_ =	shalt  }
0x45: {  	_ =	shalt  }
0x46: {  	_ =	shalt  }
0x47: {  	_ =	shalt  }
0x48: {  	_ =	shalt  }
0x49: {  	_ =	shalt  }
0x4a: {  	_ =	shalt  }
0x4b: {  	_ =	shalt  }
0x4c: {  	_ =	shalt  }
0x4d: {  	_ =	shalt  }
0x4e: {  	_ =	shalt  }
0x4f: {  	_ =	shalt  }
0x50: {  	_ =	shalt  }
0x51: {  	_ =	shalt  }
0x52: {  	_ =	shalt  }
0x53: {  	_ =	shalt  }
0x54: {  	_ =	shalt  }
0x55: {  	_ =	shalt  }
0x56: {  	_ =	shalt  }
0x57: {  	_ =	shalt  }
0x58: {  	_ =	shalt  }
0x59: {  	_ =	shalt  }
0x5a: {  	_ =	shalt  }
0x5b: {  	_ =	shalt  }
0x5c: {  	_ =	shalt  }
0x5d: {  	_ =	shalt  }
0x5e: {  	_ =	shalt  }
0x5f: {  	_ =	shalt  }
0x60: {  	_ =	shalt  }
0x61: {  	_ =	shalt  }
0x62: {  	_ =	shalt  }
0x63: {  	_ =	shalt  }
0x64: {  	_ =	shalt  }
0x65: {  	_ =	shalt  }
0x66: {  	_ =	shalt  }
0x67: {  	_ =	shalt  }
0x68: {  	_ =	shalt  }
0x69: {  	_ =	shalt  }
0x6a: {  	_ =	shalt  }
0x6b: {  	_ =	shalt  }
0x6c: {  	_ =	shalt  }
0x6d: {  	_ =	shalt  }
0x6e: {  	_ =	shalt  }
0x6f: {  	_ =	shalt  }
0x70: {  	_ =	shalt  }
0x71: {  	_ =	shalt  }
0x72: {  	_ =	shalt  }
0x73: {  	_ =	shalt  }
0x74: {  	_ =	shalt  }
0x75: {  	_ =	shalt  }
0x76: {  	_ =	shalt  }
0x77: {  	_ =	shalt  }
0x78: {  	_ =	shalt  }
0x79: {  	_ =	shalt  }
0x7a: {  	_ =	shalt  }
0x7b: {  	_ =	shalt  }
0x7c: {  	_ =	shalt  }
0x7d: {  	_ =	shalt  }
0x7e: {  	_ =	shalt  }
0x7f: {  	_ =	shalt  }
0x80: {  	_ =	shalt  }
0x81: {  	_ =	shalt  }
0x82: {  	_ =	shalt  }
0x83: {  	_ =	shalt  }
0x84: {  	_ =	shalt  }
0x85: {  	_ =	shalt  }
0x86: {  	_ =	shalt  }
0x87: {  	_ =	shalt  }
.Lfunc_end0:
.L_simem_size_0:
called_computation_lowered:
.L_overlay_start_0:
0x88: {  	s2 =	sld [smem:$0x3FD9]  }
0x89: {  	s3 =	sld [smem:$0x3FFE];
	_ =	sdelay $0x1  }
0x8a: {  	s1 =	srdreg.scid  }
0x8b: {  	s0 =	sand.u32 $0x1, s1  }
0x8c: {  	s17 =	sshll.u32 s0, $0xA;
	s2 =	sadd.s32 s3, s2  }
0x8d: {  	s2 =	sadd.s32 s2, s17  }
0x8e: {  	[smem:$0x3FC0] =	sst s2  }
0x8f: {  	_ = 	snop  }
0x90: {  	s2 =	sld [smem:$0x3FD0];
	(tm) =	ssettm $0x1  }
0x91: {  	s18 =	sld [smem:$0x3FFB];
	_ =	sdelay $0x3  }
0x92: {  	_ =	strace s18  }
0x93: {  	s3 =	sld [smem:$0x3FFC];
	_ =	sdelay $0x3  }
0x94: {  	_ =	strace s3  }
0x95: {  	s3 =	sld [smem:$0x3FFD];
	_ =	sdelay $0x3  }
0x96: {  	_ =	strace s3  }
0x97: {  	_ =	strace $0x8FFFFFFF  }
0x98: {  	s19 =	sld [smem:$0x3FDB];
	_ =	sdelay $0x1  }
0x99: {  	s4 =	simm.s32 $_scs_section_size  }
0x9a: {  	s5 =	simm.s32 $_size__tile_overlayer_lowered;
	s6 =	simm.s32 $_tile_overlayer_lowered  }
0x9b: {  	s22 =	simm.s32 $0x1BFF;
	s21 =	sshll.u32 s6, $0x1;
	s3 =	sadd.s32 s4, s19  }
0x9c: {  	s7 =	simm.s32 $0x0;
	s20 =	sshll.u32 s5, $0x1;
	s5 =	sadd.s32 s21, s3  }
0x9d: {  	[timem:s7], [sflag:s22] =	dma.local [hbm:s5], s20  }
0x9e: {  	_ =	swait.ge [sflag:s22], s20  }
0x9f: {  	s4 =	ssub.s32 $0x0, s20;
	[sflag:s22] =	ssyncset.done $0x0  }
0xa0: {  	[sflag:s22] =	ssyncadd.s32 s4;
	_ =	sdelay $0x1  }
0xa1: {  	s23 =	simm.s32 $0x1B8B  }
0xa2: {  	_ =	swait.ge [sflag:s23], $0x1  }
0xa3: {  	[sflag:s23] =	ssyncset.done $0x0  }
0xa4: {  	s25 =	simm.s32 $0x1B8E;
	s24 =	sld [smem:$0x3FFE];
	[sflag:s23] =	ssyncadd.s32 $0xFFFFFFFF  }
0xa5: {  	s26 =	simm.s32 $execute0_lowered;
	[smem:$0x3FD2] =	sst s25  }
0xa6: {  	s5 =	sshll.u32 s26, $0x1;
	_ =	strace $0x80000046;
	[dreg:$0x1] =	wrdreg $0xFFFFFFFF  }
0xa7: {  	s28 =	simm.s32 $_size_execute0_lowered;
	s3 =	sadd.s32 s3, s5;
	[dreg:$0x0] =	wrdreg $0x0  }
0xa8: {  	s5 =	sshll.u32 s28, $0x1;
	[dreg:$0x2] =	wrdreg s3  }
0xa9: {  	[dreg:$0x3] =	wrdreg s5  }
0xaa: {  	[dreg:$0x4] =	wrdreg $0xC0  }
0xab: {  	_ =	task [dreg:s7], $0x5FFFF  }
0xac: {  	[dreg:$0x1] =	wrdreg $0xFFFFFFFF  }
0xad: {  	[dreg:$0x0] =	wrdreg $0x60  }
0xae: {  	[dreg:$0x2] =	wrdreg s2  }
0xaf: {  	[dreg:$0x3] =	wrdreg s24  }
0xb0: {  	[dreg:$0x4] =	wrdreg $0x191B80  }
0xb1: {  	[dreg:$0x5] =	wrdreg $0x1BC380  }
0xb2: {  	[dreg:$0x6] =	wrdreg $0x194380  }
0xb3: {  	[dreg:$0x7] =	wrdreg $0x9  }
0xb4: {  	_ =	task.clear_ibuf [dreg:s7], $0x8FFFF;
	_ =	strace $0x90000046  }
0xb5: {  	s29 =	simm.s32 $0x9;
	_ =	strace $0x80000048  }
0xb6: {  	_ =	swait.ge [sflag:s29], $0x1  }
0xb7: {  	[sflag:s29] =	ssyncadd.s32 $0xFFFFFFFF  }
0xb8: {  	_ =	strace $0x90000048  }
0xb9: {  	_ =	sfence  }
0xba: {  	s30 =	sld [smem:$0x0];
	_ =	sdelay $0x2  }
0xbb: {  	s31 =	sshll.u32 s1, $0xD;
	s1 =	sshrl.u32 s1, $0x2  }
0xbc: {  	s3 =	sand.u32 $0x4000, s31;
	s1 =	sadd.s32 s1, s30  }
0xbd: {  	s0 =	sor.u32 s3, s0;
	s1 =	sshll.u32 s1, $0x11  }
0xbe: {  	s0 =	sor.u32 s1, s0  }
0xbf: {  	s0 =	sadd.s32 $0x8F2B, s0  }
0xc0: {  	[sflag:s0] =	ssyncadd.remote.s32 $0x1  }
0xc1: {  	_ =	sfence.sel $0xFFFF  }
0xc2: {  	[dreg:$0x0] =	wrdreg $0xFFFFFFFF;
	(pc) =	sbr.abs _section_cstart, $3  }
0xc3: {  	[dreg:$0x1] =	wrdreg $0xFFFFFFFF  }
0xc4: {  	_ =	task.clear_ibuf [dreg:s7], $0x2FFFF;
	_ =	strace $0x9FFFFFFF  }
0xc5: {  	(tm) =	ssettm $0x7FFFFFFF  }
tec
execute0_lowered:
.L_overlay_start_1:
0x0: {  	(tag) =	ssettag $0x1  }
0x1: {  	s0 =	rddreg [dreg:$0x0]  }
0x2: {  	s1 =	rddreg [dreg:$0x1]  }
0x3: {  	s2 =	rddreg [dreg:$0x2]  }
0x4: {  	s3 =	rddreg [dreg:$0x3]  }
0x5: {  	s4 =	rddreg [dreg:$0x4];
	s14 =	stileid.u32;
	s5 =	simm.s32 $0x0  }
0x6: {  	s9 =	srdreg.scid;
	s23 =	simm.s32 $0x18F40;
	s30 =	simm.s32 $0x5  }
0x7: {  	s31 =	simm.s32 $0x6;
	s28 =	simm.s32 $0x18CC0;
	s6 =	smul.u32 $0x280, s14  }
0x8: {  	s29 =	simm.s32 $0x9E00;
	[smem:$0x7FF] =	sst s5;
	s8 =	smul.u32 $0x2800, s14  }
0x9: {  	s11 =	sand.u32 $0x1, s9;
	s12 =	sadd.s32 $0xBC00, s1;
	s16 =	sshll.u32 s14, $0x6  }
0xa: {  	s22 =	sshrl.u32 s14, $0x3;
	_ =	strace $0x80000047;
	[dreg:$0x6] =	wrdreg s12  }
0xb: {  	s10 =	ssub.s32 $0x2, s11;
	s12 =	smul.u32 $0x4F00, s14;
	s17 =	sor.u32 $0x1C09, s16  }
0xc: {  	p0 =	sne.s32 s22, s11;
	s14 =	simm.s32 $0x2;
	s16 =	simm.s32 $0x3  }
0xd: {  	s7 =	sshrl.u32 s6, $0x3;
	s13 =	sshrl.u32 s8, $0x3;
	s15 =	sshrl.u32 s10, $0x1  }
0xe: {  	[dreg:$0x11] =	wrdreg s17;
	s5 =	sadd.s32 s8, s3;
	s7 =	sadd.s32 s7, s1  }
0xf: {  	s1 =	sadd.s32 s13, s1;
	s13 =	ssub.s32 s10, s15;
	s15 =	sadd.s32 s6, s2  }
0x10: {  	s18 =	sshrl.u32 s12, $0x3;
	s7 =	sadd.s32 $0xBE00, s7;
	[dreg:$0x7] =	wrdreg s15  }
0x11: {  	s17 =	simm.s32 $0x4;
	s0 =	sadd.s32 s0, s18;
	[dreg:$0x8] =	wrdreg s7  }
0x12: {  	s6 =	simm.s32 $0xEC20;
	s20 =	sadd.s32 $0x6C00, s1;
	[dreg:$0x9] =	wrdreg s0  }
0x13: {  	s19 =	sadd.s32 $0xC400, s1;
	s21 =	sadd.s32 $0x1C00, s1;
	[dreg:$0xb] =	wrdreg s20  }
0x14: {  	s24 =	sadd.s32 $0x16400, s1;
	s1 =	sadd.s32 $0x11400, s1;
	[dreg:$0xc] =	wrdreg s21  }
0x15: {  	s25 =	smax.u32 s13, $0x1;
	s26 =	sshrl.u32 s15, $0x3;
	[dreg:$0xd] =	wrdreg s24  }
0x16: {  	s13 =	simm.s32 $0x1;
	s18 =	simm.s32 $0x0;
	[dreg:$0xe] =	wrdreg s1  }
0x17: {  	s0 =	sadd.s32 $0x9E00, s0;
	s20 =	sadd.s32 s8, s4;
	[dreg:$0xf] =	wrdreg s25  }
0x18: {  	[dreg:$0x10] =	wrdreg s26;
	s21 =	simm.s32 $0x9;
	s26 =	sshrl.u32 s5, $0x3  }
0x19: {  	s25 =	simm.s32 $0x271;
	s1 =	simm.s32 $0x8;
	s24 =	simm.s32 $0xC510  }
0x1a: {  	s8 =	simm.s32 $0x11330;
	[dreg:$0xa] =	wrdreg s0;
	s0 =	simm.s32 $0x7  }
.LBB2_1:
0x1b: {  	s7 =	rddreg [dreg:$0x8]  }
0x1c: {  	s11 =	rddreg [dreg:$0x10]  }
0x1d: {  	s12 =	rddreg [dreg:$0x11]  }
0x1e: {  	[spmem:s11], [sflag:s12] =	dma.local [hbm:s7], $0x50  }
0x1f: {  	_ =	swait.ge [sflag:s21], $0x50  }
0x20: {  	[sflag:s21] =	ssyncset.done $0x0  }
0x21: {  	[sflag:s21] =	ssyncadd.s32 $0xFFFFFFB0  }
0x22: {  	[spmem:s26], [sflag:s12] =	dma.local [hbm:s19], $0x500  }
0x23: {  	_ =	swait.ge [sflag:s21], $0x500  }
0x24: {  	[sflag:s21] =	ssyncset.done $0x0  }
0x25: {  	s11 =	simm.s32 $0x0;
	s15 =	rddreg [dreg:$0x6];
	[sflag:s21] =	ssyncadd.s32 $0xFFFFFB00  }
0x26: {  	[tilespmem:s23], [sflag:$0x9] =	stream.linear.gather [hbm4b:s15+s11], $0x278, $0x38;
	[tilespmem:$0x1E438] =	vst v63  }
0x27: {  	_ =	swait.ge [sflag:s21], $0x278  }
0x28: {  	[sflag:s21] =	ssyncset.done $0x0  }
0x29: {  	s22 =	smov.u32 s19;
	s19 =	rddreg [dreg:$0x9];
	[sflag:s21] =	ssyncadd.s32 $0xFFFFFD88  }
0x2a: {  	[tilespmem:s11], [sflag:$0x9] =	stream.linear.gather [hbm4b:s19+s11], $0x4F00, $0x38;
	[tilespmem:$0x1E438] =	vst v63  }
0x2b: {  	_ =	swait.ge [sflag:s21], $0x4F00  }
0x2c: {  	s10 =	smov.u32 s20;
	s9 =	smov.u32 s26;
	[sflag:s21] =	ssyncset.done $0x0  }
0x2d: {  	s26 =	simm.s32 $0x4F00;
	s20 =	rddreg [dreg:$0xa];
	[sflag:s21] =	ssyncadd.s32 $0xFFFFB100  }
0x2e: {  	[tilespmem:s26], [sflag:$0x9] =	stream.linear.gather [hbm4b:s20+s11], $0x4F00, $0x38;
	[tilespmem:$0x1E438] =	vst v63  }
0x2f: {  	_ =	swait.ge [sflag:s21], $0x4F00  }
0x30: {  	[sflag:s21] =	ssyncset.done $0x0  }
0x31: {  	[sflag:s21] =	ssyncadd.s32 $0xFFFFB100  }
0x32: {  	[bflag:$0x0] =	sbarrier.arrive $0xFFFF  }
0x33: {  	[spmem:s2] =	stream.indirect.scatter.add.f32 [tilespmem:s23], [sflag:$0x5], $0x1, s11, s25, $0xb8;
	[tilespmem:$0x1E438] =	vst v63  }
0x34: {  	s12 =	simm.s32 $0x278  }
0x35: {  	[spmem:s2] =	stream.indirect.scatter.add.f32 [tilespmem:s23], [sflag:$0x6], $0x1, s12, s25, $0xb8;
	[tilespmem:$0x1E438] =	vst v63  }
0x36: {  	s15 =	simm.s32 $0x4F0  }
0x37: {  	[spmem:s2] =	stream.indirect.scatter.add.f32 [tilespmem:s23], [sflag:$0x7], $0x1, s15, s25, $0xb8;
	[tilespmem:$0x1E438] =	vst v63  }
0x38: {  	s19 =	simm.s32 $0x768  }
0x39: {  	[spmem:s2] =	stream.indirect.scatter.add.f32 [tilespmem:s23], [sflag:$0x8], $0x1, s19, s25, $0xb8;
	[tilespmem:$0x1E438] =	vst v63  }
0x3a: {  	_ =	swait.ge [sflag:s30], $0x271  }
0x3b: {  	[sflag:s30] =	ssyncset.done $0x0  }
0x3c: {  	[sflag:s30] =	ssyncadd.s32 $0xFFFFFD8F  }
0x3d: {  	_ =	swait.ge [sflag:s31], $0x271  }
0x3e: {  	[sflag:s31] =	ssyncset.done $0x0  }
0x3f: {  	[sflag:s31] =	ssyncadd.s32 $0xFFFFFD8F  }
0x40: {  	_ =	swait.ge [sflag:s0], $0x271  }
0x41: {  	[sflag:s0] =	ssyncset.done $0x0  }
0x42: {  	[sflag:s0] =	ssyncadd.s32 $0xFFFFFD8F  }
0x43: {  	_ =	swait.ge [sflag:s1], $0x271  }
0x44: {  	[sflag:s1] =	ssyncset.done $0x0  }
0x45: {  	s20 =	simm.s32 $0x9E0;
	[sflag:s1] =	ssyncadd.s32 $0xFFFFFD8F  }
0x46: {  	[spmem:s2] =	stream.indirect.scatter.add.f32 [tilespmem:s23], [sflag:$0x5], $0x1, s20, s25, $0xb8;
	[tilespmem:$0x1E438] =	vst v63  }
0x47: {  	s26 =	simm.s32 $0xC58  }
0x48: {  	[spmem:s2] =	stream.indirect.scatter.add.f32 [tilespmem:s23], [sflag:$0x6], $0x1, s26, s25, $0xb8;
	[tilespmem:$0x1E438] =	vst v63  }
0x49: {  	s12 =	simm.s32 $0xED0  }
0x4a: {  	[spmem:s2] =	stream.indirect.scatter.add.f32 [tilespmem:s23], [sflag:$0x7], $0x1, s12, s25, $0xb8;
	[tilespmem:$0x1E438] =	vst v63  }
0x4b: {  	s15 =	simm.s32 $0x1148  }
0x4c: {  	[spmem:s2] =	stream.indirect.scatter.add.f32 [tilespmem:s23], [sflag:$0x8], $0x1, s15, s25, $0xb8;
	[tilespmem:$0x1E438] =	vst v63  }
0x4d: {  	_ =	swait.ge [sflag:s30], $0x271  }
0x4e: {  	[sflag:s30] =	ssyncset.done $0x0  }
0x4f: {  	[sflag:s30] =	ssyncadd.s32 $0xFFFFFD8F  }
0x50: {  	_ =	swait.ge [sflag:s31], $0x271  }
0x51: {  	[sflag:s31] =	ssyncset.done $0x0  }
0x52: {  	[sflag:s31] =	ssyncadd.s32 $0xFFFFFD8F  }
0x53: {  	_ =	swait.ge [sflag:s0], $0x271  }
0x54: {  	[sflag:s0] =	ssyncset.done $0x0  }
0x55: {  	[sflag:s0] =	ssyncadd.s32 $0xFFFFFD8F  }
0x56: {  	_ =	swait.ge [sflag:s1], $0x271  }
0x57: {  	[sflag:s1] =	ssyncset.done $0x0  }
0x58: {  	s19 =	simm.s32 $0x13C0;
	[sflag:s1] =	ssyncadd.s32 $0xFFFFFD8F  }
0x59: {  	[spmem:s2] =	stream.indirect.scatter.add.f32 [tilespmem:s23], [sflag:$0x5], $0x1, s19, s25, $0xb8;
	[tilespmem:$0x1E438] =	vst v63  }
0x5a: {  	s20 =	simm.s32 $0x1638  }
0x5b: {  	[spmem:s2] =	stream.indirect.scatter.add.f32 [tilespmem:s23], [sflag:$0x6], $0x1, s20, s25, $0xb8;
	[tilespmem:$0x1E438] =	vst v63  }
0x5c: {  	s26 =	simm.s32 $0x18B0  }
0x5d: {  	[spmem:s2] =	stream.indirect.scatter.add.f32 [tilespmem:s23], [sflag:$0x7], $0x1, s26, s25, $0xb8;
	[tilespmem:$0x1E438] =	vst v63  }
0x5e: {  	s12 =	simm.s32 $0x1B28  }
0x5f: {  	[spmem:s2] =	stream.indirect.scatter.add.f32 [tilespmem:s23], [sflag:$0x8], $0x1, s12, s25, $0xb8;
	[tilespmem:$0x1E438] =	vst v63  }
0x60: {  	_ =	swait.ge [sflag:s30], $0x271  }
0x61: {  	[sflag:s30] =	ssyncset.done $0x0  }
0x62: {  	[sflag:s30] =	ssyncadd.s32 $0xFFFFFD8F  }
0x63: {  	_ =	swait.ge [sflag:s31], $0x271  }
0x64: {  	[sflag:s31] =	ssyncset.done $0x0  }
0x65: {  	[sflag:s31] =	ssyncadd.s32 $0xFFFFFD8F  }
0x66: {  	_ =	swait.ge [sflag:s0], $0x271  }
0x67: {  	[sflag:s0] =	ssyncset.done $0x0  }
0x68: {  	[sflag:s0] =	ssyncadd.s32 $0xFFFFFD8F  }
0x69: {  	_ =	swait.ge [sflag:s1], $0x271  }
0x6a: {  	[sflag:s1] =	ssyncset.done $0x0  }
0x6b: {  	s15 =	simm.s32 $0x1DA0;
	[sflag:s1] =	ssyncadd.s32 $0xFFFFFD8F  }
0x6c: {  	[spmem:s2] =	stream.indirect.scatter.add.f32 [tilespmem:s23], [sflag:$0x5], $0x1, s15, s25, $0xb8;
	[tilespmem:$0x1E438] =	vst v63  }
0x6d: {  	s19 =	simm.s32 $0x2018  }
0x6e: {  	[spmem:s2] =	stream.indirect.scatter.add.f32 [tilespmem:s23], [sflag:$0x6], $0x1, s19, s25, $0xb8;
	[tilespmem:$0x1E438] =	vst v63  }
0x6f: {  	s20 =	simm.s32 $0x2290  }
0x70: {  	[spmem:s2] =	stream.indirect.scatter.add.f32 [tilespmem:s23], [sflag:$0x7], $0x1, s20, s25, $0xb8;
	[tilespmem:$0x1E438] =	vst v63  }
0x71: {  	s26 =	simm.s32 $0x2508  }
0x72: {  	[spmem:s2] =	stream.indirect.scatter.add.f32 [tilespmem:s23], [sflag:$0x8], $0x1, s26, s25, $0xb8;
	[tilespmem:$0x1E438] =	vst v63  }
0x73: {  	_ =	swait.ge [sflag:s30], $0x271  }
0x74: {  	[sflag:s30] =	ssyncset.done $0x0  }
0x75: {  	[sflag:s30] =	ssyncadd.s32 $0xFFFFFD8F  }
0x76: {  	_ =	swait.ge [sflag:s31], $0x271  }
0x77: {  	[sflag:s31] =	ssyncset.done $0x0  }
0x78: {  	[sflag:s31] =	ssyncadd.s32 $0xFFFFFD8F  }
0x79: {  	_ =	swait.ge [sflag:s0], $0x271  }
0x7a: {  	[sflag:s0] =	ssyncset.done $0x0  }
0x7b: {  	[sflag:s0] =	ssyncadd.s32 $0xFFFFFD8F  }
0x7c: {  	_ =	swait.ge [sflag:s1], $0x271  }
0x7d: {  	[sflag:s1] =	ssyncset.done $0x0  }
0x7e: {  	s12 =	simm.s32 $0x2780;
	[sflag:s1] =	ssyncadd.s32 $0xFFFFFD8F  }
0x7f: {  	[spmem:s2] =	stream.indirect.scatter.add.f32 [tilespmem:s23], [sflag:$0x5], $0x1, s12, s25, $0xb8;
	[tilespmem:$0x1E438] =	vst v63  }
0x80: {  	s15 =	simm.s32 $0x29F8  }
0x81: {  	[spmem:s2] =	stream.indirect.scatter.add.f32 [tilespmem:s23], [sflag:$0x6], $0x1, s15, s25, $0xb8;
	[tilespmem:$0x1E438] =	vst v63  }
0x82: {  	s19 =	simm.s32 $0x2C70  }
0x83: {  	[spmem:s2] =	stream.indirect.scatter.add.f32 [tilespmem:s23], [sflag:$0x7], $0x1, s19, s25, $0xb8;
	[tilespmem:$0x1E438] =	vst v63  }
0x84: {  	s20 =	simm.s32 $0x2EE8  }
0x85: {  	[spmem:s2] =	stream.indirect.scatter.add.f32 [tilespmem:s23], [sflag:$0x8], $0x1, s20, s25, $0xb8;
	[tilespmem:$0x1E438] =	vst v63  }
0x86: {  	_ =	swait.ge [sflag:s30], $0x271  }
0x87: {  	[sflag:s30] =	ssyncset.done $0x0  }
0x88: {  	[sflag:s30] =	ssyncadd.s32 $0xFFFFFD8F  }
0x89: {  	_ =	swait.ge [sflag:s31], $0x271  }
0x8a: {  	[sflag:s31] =	ssyncset.done $0x0  }
0x8b: {  	[sflag:s31] =	ssyncadd.s32 $0xFFFFFD8F  }
0x8c: {  	_ =	swait.ge [sflag:s0], $0x271  }
0x8d: {  	[sflag:s0] =	ssyncset.done $0x0  }
0x8e: {  	[sflag:s0] =	ssyncadd.s32 $0xFFFFFD8F  }
0x8f: {  	_ =	swait.ge [sflag:s1], $0x271  }
0x90: {  	[sflag:s1] =	ssyncset.done $0x0  }
0x91: {  	s26 =	simm.s32 $0x3160;
	[sflag:s1] =	ssyncadd.s32 $0xFFFFFD8F  }
0x92: {  	[spmem:s2] =	stream.indirect.scatter.add.f32 [tilespmem:s23], [sflag:$0x5], $0x1, s26, s25, $0xb8;
	[tilespmem:$0x1E438] =	vst v63  }
0x93: {  	s12 =	simm.s32 $0x33D8  }
0x94: {  	[spmem:s2] =	stream.indirect.scatter.add.f32 [tilespmem:s23], [sflag:$0x6], $0x1, s12, s25, $0xb8;
	[tilespmem:$0x1E438] =	vst v63  }
0x95: {  	s15 =	simm.s32 $0x3650  }
0x96: {  	[spmem:s2] =	stream.indirect.scatter.add.f32 [tilespmem:s23], [sflag:$0x7], $0x1, s15, s25, $0xb8;
	[tilespmem:$0x1E438] =	vst v63  }
0x97: {  	s19 =	simm.s32 $0x38C8  }
0x98: {  	[spmem:s2] =	stream.indirect.scatter.add.f32 [tilespmem:s23], [sflag:$0x8], $0x1, s19, s25, $0xb8;
	[tilespmem:$0x1E438] =	vst v63  }
0x99: {  	_ =	swait.ge [sflag:s30], $0x271  }
0x9a: {  	[sflag:s30] =	ssyncset.done $0x0  }
0x9b: {  	[sflag:s30] =	ssyncadd.s32 $0xFFFFFD8F  }
0x9c: {  	_ =	swait.ge [sflag:s31], $0x271  }
0x9d: {  	[sflag:s31] =	ssyncset.done $0x0  }
0x9e: {  	[sflag:s31] =	ssyncadd.s32 $0xFFFFFD8F  }
0x9f: {  	_ =	swait.ge [sflag:s0], $0x271  }
0xa0: {  	[sflag:s0] =	ssyncset.done $0x0  }
0xa1: {  	[sflag:s0] =	ssyncadd.s32 $0xFFFFFD8F  }
0xa2: {  	_ =	swait.ge [sflag:s1], $0x271  }
0xa3: {  	[sflag:s1] =	ssyncset.done $0x0  }
0xa4: {  	s20 =	simm.s32 $0x3B40;
	[sflag:s1] =	ssyncadd.s32 $0xFFFFFD8F  }
0xa5: {  	[spmem:s2] =	stream.indirect.scatter.add.f32 [tilespmem:s23], [sflag:$0x5], $0x1, s20, s25, $0xb8;
	[tilespmem:$0x1E438] =	vst v63  }
0xa6: {  	s26 =	simm.s32 $0x3DB8  }
0xa7: {  	[spmem:s2] =	stream.indirect.scatter.add.f32 [tilespmem:s23], [sflag:$0x6], $0x1, s26, s25, $0xb8;
	[tilespmem:$0x1E438] =	vst v63  }
0xa8: {  	s12 =	simm.s32 $0x4030  }
0xa9: {  	[spmem:s2] =	stream.indirect.scatter.add.f32 [tilespmem:s23], [sflag:$0x7], $0x1, s12, s25, $0xb8;
	[tilespmem:$0x1E438] =	vst v63  }
0xaa: {  	s15 =	simm.s32 $0x42A8  }
0xab: {  	[spmem:s2] =	stream.indirect.scatter.add.f32 [tilespmem:s23], [sflag:$0x8], $0x1, s15, s25, $0xb8;
	[tilespmem:$0x1E438] =	vst v63  }
0xac: {  	_ =	swait.ge [sflag:s30], $0x271  }
0xad: {  	[sflag:s30] =	ssyncset.done $0x0  }
0xae: {  	[sflag:s30] =	ssyncadd.s32 $0xFFFFFD8F  }
0xaf: {  	_ =	swait.ge [sflag:s31], $0x271  }
0xb0: {  	[sflag:s31] =	ssyncset.done $0x0  }
0xb1: {  	[sflag:s31] =	ssyncadd.s32 $0xFFFFFD8F  }
0xb2: {  	_ =	swait.ge [sflag:s0], $0x271  }
0xb3: {  	[sflag:s0] =	ssyncset.done $0x0  }
0xb4: {  	[sflag:s0] =	ssyncadd.s32 $0xFFFFFD8F  }
0xb5: {  	_ =	swait.ge [sflag:s1], $0x271  }
0xb6: {  	[sflag:s1] =	ssyncset.done $0x0  }
0xb7: {  	s19 =	simm.s32 $0x4520;
	[sflag:s1] =	ssyncadd.s32 $0xFFFFFD8F  }
0xb8: {  	[spmem:s2] =	stream.indirect.scatter.add.f32 [tilespmem:s23], [sflag:$0x5], $0x1, s19, s25, $0xb8;
	[tilespmem:$0x1E438] =	vst v63  }
0xb9: {  	s20 =	simm.s32 $0x4798  }
0xba: {  	[spmem:s2] =	stream.indirect.scatter.add.f32 [tilespmem:s23], [sflag:$0x6], $0x1, s20, s25, $0xb8;
	[tilespmem:$0x1E438] =	vst v63  }
0xbb: {  	s26 =	simm.s32 $0x4A10  }
0xbc: {  	[spmem:s2] =	stream.indirect.scatter.add.f32 [tilespmem:s23], [sflag:$0x7], $0x1, s26, s25, $0xb8;
	[tilespmem:$0x1E438] =	vst v63  }
0xbd: {  	s12 =	simm.s32 $0x4C88  }
0xbe: {  	[spmem:s2] =	stream.indirect.scatter.add.f32 [tilespmem:s23], [sflag:$0x8], $0x1, s12, s25, $0xb8;
	[tilespmem:$0x1E438] =	vst v63  }
0xbf: {  	_ =	swait.ge [sflag:s30], $0x271  }
0xc0: {  	[sflag:s30] =	ssyncset.done $0x0  }
0xc1: {  	[sflag:s30] =	ssyncadd.s32 $0xFFFFFD8F  }
0xc2: {  	_ =	swait.ge [sflag:s31], $0x271  }
0xc3: {  	[sflag:s31] =	ssyncset.done $0x0  }
0xc4: {  	[sflag:s31] =	ssyncadd.s32 $0xFFFFFD8F  }
0xc5: {  	_ =	swait.ge [sflag:s0], $0x271  }
0xc6: {  	[sflag:s0] =	ssyncset.done $0x0  }
0xc7: {  	[sflag:s0] =	ssyncadd.s32 $0xFFFFFD8F  }
0xc8: {  	_ =	swait.ge [sflag:s1], $0x271  }
0xc9: {  	[sflag:s1] =	ssyncset.done $0x0  }
0xca: {  	[sflag:s1] =	ssyncadd.s32 $0xFFFFFD8F  }
0xcb: {  	[bflag:$0x0] =	sbarrier.arrive $0xFFFF  }
0xcc: {  	s19 =	simm.s32 $0x18A40;
	s15 =	rddreg [dreg:$0x7]  }
0xcd: {  	[tilespmem:s19], [sflag:$0x9] =	stream.linear.gather [spmem:s15], $0x280, $0x38;
	[tilespmem:$0x1E438] =	vst v63  }
0xce: {  	_ =	swait.ge [sflag:s21], $0x280  }
0xcf: {  	[sflag:s21] =	ssyncset.done $0x0  }
0xd0: {  	s26 =	simm.s32 $0x13A40;
	s20 =	rddreg [dreg:$0xb];
	[sflag:s21] =	ssyncadd.s32 $0xFFFFFD80  }
0xd1: {  	[tilespmem:s26], [sflag:$0x9] =	stream.linear.gather [hbm4b:s20+s11], $0x2800, $0x38;
	[tilespmem:$0x1E438] =	vst v63  }
0xd2: {  	_ =	swait.ge [sflag:s21], $0x2800  }
0xd3: {  	[sflag:s21] =	ssyncset.done $0x0  }
0xd4: {  	s7 =	simm.s32 $0x0;
	[sflag:s21] =	ssyncadd.s32 $0xFFFFD800  }
0xd5: {  	v1 =	vld [tilespmem:s7+$0x18A40];
	_ =	sdelay $0x3  }
0xd6: {  	s19 =	simm.s32 $0x10  }
0xd7: {  	v0 =	vld [tilespmem:s19+$0x18A40];
	v2 =	vshra.s32 v1, $0x1;
	v4 =	vmul.f32 $5.000000000e-01, v1  }
0xd8: {  	v3 =	vsub.s32 $0x5F3759DF, v2  }
0xd9: {  	v2 =	vmul.f32 v3, v4;
	_ =	sdelay $0x1  }
0xda: {  	v6 =	vmul.f32 v3, v2  }
0xdb: {  	v7 =	vshra.s32 v0, $0x1;
	v5 =	vmul.f32 $5.000000000e-01, v0  }
0xdc: {  	s20 =	simm.s32 $0x20;
	v7 =	vsub.s32 $0x5F3759DF, v7;
	v6 =	vsub.f32 $1.500000000e+00, v6  }
0xdd: {  	v8 =	vmul.f32 v7, v5;
	v2 =	vld [tilespmem:s20+$0x18A40]  }
0xde: {  	v6 =	vmul.f32 v3, v6  }
0xdf: {  	v9 =	vmul.f32 v7, v8  }
0xe0: {  	v10 =	vmul.f32 v6, v4  }
0xe1: {  	v9 =	vsub.f32 $1.500000000e+00, v9  }
0xe2: {  	v11 =	vshra.s32 v2, $0x1;
	v8 =	vmul.f32 $5.000000000e-01, v2;
	v10 =	vmul.f32 v10, v6  }
0xe3: {  	s12 =	simm.s32 $0x30;
	v12 =	vsub.s32 $0x5F3759DF, v11  }
0xe4: {  	v3 =	vld [tilespmem:s12+$0x18A40];
	v9 =	vmul.f32 v7, v9;
	v11 =	vmul.f32 v12, v8;
	v7 =	vsub.f32 $1.500000000e+00, v10;
	_ =	sdelay $0x1  }
0xe5: {  	v10 =	vmul.f32 v12, v11;
	v6 =	vmul.f32 v7, v6  }
0xe6: {  	v11 =	vmul.f32 v9, v5  }
0xe7: {  	v10 =	vsub.f32 $1.500000000e+00, v10;
	v4 =	vmul.f32 v6, v4  }
0xe8: {  	s26 =	simm.s32 $0x40;
	v13 =	vshra.s32 v3, $0x1;
	v7 =	vmul.f32 $5.000000000e-01, v3;
	v14 =	vmul.f32 v11, v9  }
0xe9: {  	v11 =	vsub.s32 $0x5F3759DF, v13;
	v10 =	vmul.f32 v12, v10;
	v12 =	vmul.f32 v4, v6;
	v4 =	vld [tilespmem:s26+$0x18A40]  }
0xea: {  	v15 =	vmul.f32 v11, v7;
	_ =	sdelay $0x1  }
0xeb: {  	s11 =	simm.s32 $0x140;
	v13 =	vsub.f32 $1.500000000e+00, v14;
	v15 =	vmul.f32 v11, v15;
	v14 =	vmul.f32 v10, v8  }
.LBB2_2:
0xec: {  	s15 =	smov.u32 s12  }
0xed: {  	v16 =	vshra.s32 v4, $0x1;
	v13 =	vmul.f32 v13, v9;
	v12 =	vsub.f32 $1.500000000e+00, v12;
	v17 =	vmovc v4;
	v18 =	vmovc v11;
	s12 =	smov.u32 s26;
	s26 =	sshra.s32 s11, $0x2;
	p1 =	sne.s32 s11, $0x9C0  }
.Ltmp0:
0xee: {  	v9 =	vmovc v10;
	v4 =	vld [tilespmem:s26+$0x18A40];
	v19 =	vmul.f32 $5.000000000e-01, v17;
	v15 =	vsub.f32 $1.500000000e+00, v15;
	v14 =	vmul.f32 v14, v10;
	(pc) =	sbr.rel @p1 .LBB2_2-.Ltmp0, $4  }
0xef: {  	s11 =	sadd.s32 $0x40, s11;
	v11 =	vsub.s32 $0x5F3759DF, v16;
	v16 =	vmul.f32 v13, v5;
	v20 =	vmul.f32 v12, v6;
	v6 =	vmovc v13;
	v5 =	vmovc v8  }
0xf0: {  	vm0 =	vgt.f32 v1, $5.000000000e-01;
	v1 =	vmovc v0;
	v0 =	vmovc v2;
	v21 =	vmul.f32 v11, v19;
	v10 =	vmul.f32 v18, v15  }
0xf1: {  	v2 =	vmovc v3;
	v3 =	vmovc v17;
	v13 =	vsub.f32 $1.500000000e+00, v14;
	v12 =	vmul.f32 v16, v6;
	v16 =	vnsel vm0, $0x0, v20  }
0xf2: {  	v8 =	vmovc v7;
	v15 =	vmul.f32 v11, v21;
	v14 =	vmul.f32 v10, v7;
	[tilespmem:s7+$0x18CC0] =	vst v16;
	v7 =	vmov v19;
	s7 =	smov.u32 s19;
	s19 =	smov.u32 s20;
	s20 =	smov.u32 s15  }
0xf3: {  	v16 =	vshra.s32 v4, $0x1;
	v17 =	vmul.f32 $5.000000000e-01, v4  }
0xf4: {  	v16 =	vsub.s32 $0x5F3759DF, v16  }
0xf5: {  	v18 =	vmul.f32 v16, v17;
	_ =	sdelay $0x1  }
0xf6: {  	v18 =	vmul.f32 v16, v18  }
0xf7: {  	v15 =	vsub.f32 $1.500000000e+00, v15  }
0xf8: {  	v18 =	vsub.f32 $1.500000000e+00, v18  }
0xf9: {  	v11 =	vmul.f32 v11, v15  }
0xfa: {  	v52 =	vmul.f32 v16, v18  }
0xfb: {  	v53 =	vmul.f32 v11, v7  }
0xfc: {  	v14 =	vmul.f32 v14, v10;
	v18 =	vmul.f32 v52, v17  }
0xfd: {  	v54 =	vmul.f32 v53, v11  }
0xfe: {  	v14 =	vsub.f32 $1.500000000e+00, v14;
	v55 =	vmul.f32 v18, v52  }
0xff: {  	v9 =	vmul.f32 v13, v9;
	v13 =	vsub.f32 $1.500000000e+00, v54  }
0x100: {  	v56 =	vmul.f32 v14, v10;
	v57 =	vsub.f32 $1.500000000e+00, v55  }
0x101: {  	v5 =	vmul.f32 v9, v5;
	v11 =	vmul.f32 v13, v11  }
0x102: {  	v8 =	vmul.f32 v56, v8;
	v58 =	vmul.f32 v57, v52  }
0x103: {  	v12 =	vsub.f32 $1.500000000e+00, v12;
	v5 =	vmul.f32 v5, v9;
	v59 =	vmul.f32 v11, v7  }
0x104: {  	vm0 =	vgt.f32 v1, $5.000000000e-01;
	v8 =	vmul.f32 v8, v56;
	v14 =	vmul.f32 v58, v17  }
0x105: {  	vm12 =	vgt.f32 v0, $5.000000000e-01;
	v5 =	vsub.f32 $1.500000000e+00, v5;
	v1 =	vmul.f32 v59, v11  }
0x106: {  	v6 =	vmul.f32 v12, v6;
	v60 =	vsub.f32 $1.500000000e+00, v8;
	v61 =	vmul.f32 v14, v58  }
0x107: {  	vm13 =	vgt.f32 v2, $5.000000000e-01;
	v5 =	vmul.f32 v5, v9;
	v0 =	vsub.f32 $1.500000000e+00, v1  }
0x108: {  	s11 =	simm.s32 $0x0;
	v6 =	vnsel vm0, $0x0, v6;
	v62 =	vmul.f32 v60, v56;
	v63 =	vsub.f32 $1.500000000e+00, v61  }
0x109: {  	v2 =	vmov s11;
	[tilespmem:s7+$0x18CC0] =	vst v6;
	v1 =	vnsel vm12, $0x0, v5;
	v0 =	vmul.f32 v0, v11  }
0x10a: {  	vm14 =	vgt.f32 v3, $5.000000000e-01;
	[tilespmem:s19+$0x18CC0] =	vst v1;
	v1 =	vnsel vm13, $0x0, v62;
	v3 =	vmul.f32 v63, v58  }
0x10b: {  	vm15 =	vgt.f32 v4, $5.000000000e-01;
	[tilespmem:s20+$0x18CC0] =	vst v1;
	v0 =	vnsel vm14, $0x0, v0  }
0x10c: {  	[tilespmem:s12+$0x18CC0] =	vst v0;
	v0 =	vnsel vm15, $0x0, v3  }
0x10d: {  	[tilespmem:s26+$0x18CC0] =	vst v0  }
0x10e: {  	s7 =	simm.s32 $0x13A40;
	v0 =	vld.idx.msk [tilespmem:v2+s28+$0x0], $0xffff  }
0x10f: {  	v2 =	vld [tilespmem:s7+$0x0];
	_ =	sdelay $0x1  }
0x110: {  	s26 =	simm.s32 $0x1  }
0x111: {  	s11 =	simm.s32 $0x2;
	v1 =	vmov s26  }
.LBB2_4:
0x112: {  	p1 =	sne.s32 s11, $0x27F  }
0x113: {  	v0 =	vmul.f32 v2, v0;
	_ =	sdelay $0x1  }
0x114: {  	[tilespmem:s7+$0x0] =	vst v0  }
.Ltmp1:
0x115: {  	s7 =	sadd.s32 $0x10, s7;
	v0 =	vld.idx.msk [tilespmem:v1+s28+$0x0], $0xffff;
	(pc) =	sbr.rel @p1 .LBB2_4-.Ltmp1, $2  }
0x116: {  	v2 =	vld [tilespmem:s7+$0x0];
	_ =	sdelay $0x2  }
0x117: {  	v1 =	vmov s11;
	s11 =	sadd.s32 $0x1, s11  }
0x118: {  	_ = 	snop  }
0x119: {  	v0 =	vmul.f32 v2, v0;
	_ =	sdelay $0x1  }
0x11a: {  	[tilespmem:s7+$0x0] =	vst v0  }
0x11b: {  	s12 =	sadd.s32 $0x10, s7;
	v0 =	vld.idx.msk [tilespmem:v1+s28+$0x0], $0xffff  }
0x11c: {  	v63 =	vld [tilespmem:s12+$0x0];
	_ =	sdelay $0x4  }
0x11d: {  	v0 =	vmul.f32 v63, v0;
	_ =	sdelay $0x1  }
0x11e: {  	s15 =	simm.s32 $0x13A40;
	[tilespmem:s12+$0x0] =	vst v0  }
0x11f: {  	[spmem:s10] =	stream.linear.scatter [tilespmem:s15], [sflag:$0x9], $0x2800, $0x38;
	[tilespmem:$0x1E438] =	vst v63  }
0x120: {  	_ =	swait.ge [sflag:s21], $0x2800  }
0x121: {  	[sflag:s21] =	ssyncset.done $0x0  }
0x122: {  	[sflag:s21] =	ssyncadd.s32 $0xFFFFD800  }
0x123: {  	s19 =	simm.s32 $0x0;
	[bflag:$0x0] =	sbarrier.arrive $0xFFFF  }
0x124: {  	[tilespmem:s29], [sflag:$0x1] =	stream.indirect.gather [spmem:s4], $0x10, s19, s25, $0xb8;
	[tilespmem:$0x1E438] =	vst v63  }
0x125: {  	s26 =	simm.s32 $0x278  }
0x126: {  	[tilespmem:s24], [sflag:$0x2] =	stream.indirect.gather [spmem:s4], $0x10, s26, s25, $0xb8;
	[tilespmem:$0x1E438] =	vst v63  }
0x127: {  	s20 =	smov.u32 s10;
	s10 =	simm.s32 $0x4F0  }
0x128: {  	[tilespmem:s6], [sflag:$0x3] =	stream.indirect.gather [spmem:s4], $0x10, s10, s25, $0xb8;
	[tilespmem:$0x1E438] =	vst v63  }
0x129: {  	s11 =	simm.s32 $0x768  }
0x12a: {  	[tilespmem:s8], [sflag:$0x4] =	stream.indirect.gather [spmem:s4], $0x10, s11, s25, $0xb8;
	[tilespmem:$0x1E438] =	vst v63  }
0x12b: {  	_ =	swait.ge [sflag:s13], $0x2710  }
0x12c: {  	[sflag:s13] =	ssyncset.done $0x0  }
0x12d: {  	s12 =	simm.s32 $0x4F00;
	[sflag:s13] =	ssyncadd.s32 $0xFFFFD8F0  }
0x12e: {  	[spmem:s3] =	stream.indirect.scatter.add.f32 [tilespmem:s29], [sflag:$0x5], $0x10, s12, s25, $0xb8;
	[tilespmem:$0x1E438] =	vst v63  }
0x12f: {  	_ =	swait.ge [sflag:s14], $0x2710  }
0x130: {  	[sflag:s14] =	ssyncset.done $0x0  }
0x131: {  	s15 =	simm.s32 $0x5178;
	[sflag:s14] =	ssyncadd.s32 $0xFFFFD8F0  }
0x132: {  	[spmem:s3] =	stream.indirect.scatter.add.f32 [tilespmem:s24], [sflag:$0x6], $0x10, s15, s25, $0xb8;
	[tilespmem:$0x1E438] =	vst v63  }
0x133: {  	_ =	swait.ge [sflag:s16], $0x2710  }
0x134: {  	[sflag:s16] =	ssyncset.done $0x0  }
0x135: {  	s19 =	simm.s32 $0x53F0;
	[sflag:s16] =	ssyncadd.s32 $0xFFFFD8F0  }
0x136: {  	[spmem:s3] =	stream.indirect.scatter.add.f32 [tilespmem:s6], [sflag:$0x7], $0x10, s19, s25, $0xb8;
	[tilespmem:$0x1E438] =	vst v63  }
0x137: {  	_ =	swait.ge [sflag:s17], $0x2710  }
0x138: {  	[sflag:s17] =	ssyncset.done $0x0  }
0x139: {  	s26 =	simm.s32 $0x5668;
	[sflag:s17] =	ssyncadd.s32 $0xFFFFD8F0  }
0x13a: {  	[spmem:s3] =	stream.indirect.scatter.add.f32 [tilespmem:s8], [sflag:$0x8], $0x10, s26, s25, $0xb8;
	[tilespmem:$0x1E438] =	vst v63  }
0x13b: {  	_ =	swait.ge [sflag:s30], $0x2710  }
0x13c: {  	[sflag:s30] =	ssyncset.done $0x0  }
0x13d: {  	[sflag:s30] =	ssyncadd.s32 $0xFFFFD8F0  }
0x13e: {  	_ =	swait.ge [sflag:s31], $0x2710  }
0x13f: {  	[sflag:s31] =	ssyncset.done $0x0  }
0x140: {  	[sflag:s31] =	ssyncadd.s32 $0xFFFFD8F0  }
0x141: {  	_ =	swait.ge [sflag:s0], $0x2710  }
0x142: {  	[sflag:s0] =	ssyncset.done $0x0  }
0x143: {  	[sflag:s0] =	ssyncadd.s32 $0xFFFFD8F0  }
0x144: {  	s7 =	simm.s32 $0x2780;
	s11 =	simm.s32 $0x4F00;
	_ =	swait.ge [sflag:s1], $0x2710  }
0x145: {  	s19 =	smov.u32 s22;
	s26 =	smov.u32 s9;
	[sflag:s1] =	ssyncset.done $0x0  }
.LBB2_6:
0x146: {  	s15 =	sshra.s32 s7, $0x2  }
0x147: {  	[sflag:s1] =	ssyncadd.s32 $0xFFFFD8F0;
	s7 =	smov.u32 s11;
	s12 =	sadd.s32 $0x2780, s11  }
0x148: {  	[tilespmem:s29], [sflag:$0x1] =	stream.indirect.gather [spmem:s4], $0x10, s15, s25, $0xb8;
	[tilespmem:$0x1E438] =	vst v63  }
0x149: {  	p1 =	sne.s32 s11, $0x11480;
	s11 =	sadd.s32 $0x278, s15  }
0x14a: {  	[tilespmem:s24], [sflag:$0x2] =	stream.indirect.gather [spmem:s4], $0x10, s11, s25, $0xb8;
	[tilespmem:$0x1E438] =	vst v63  }
0x14b: {  	s11 =	sadd.s32 $0x4F0, s15  }
0x14c: {  	[tilespmem:s6], [sflag:$0x3] =	stream.indirect.gather [spmem:s4], $0x10, s11, s25, $0xb8;
	[tilespmem:$0x1E438] =	vst v63  }
0x14d: {  	s11 =	sadd.s32 $0x768, s15  }
0x14e: {  	[tilespmem:s8], [sflag:$0x4] =	stream.indirect.gather [spmem:s4], $0x10, s11, s25, $0xb8;
	[tilespmem:$0x1E438] =	vst v63  }
0x14f: {  	_ =	swait.ge [sflag:s13], $0x2710  }
0x150: {  	[sflag:s13] =	ssyncset.done $0x0  }
0x151: {  	s11 =	sadd.s32 $0x4F00, s15;
	[sflag:s13] =	ssyncadd.s32 $0xFFFFD8F0  }
0x152: {  	[spmem:s3] =	stream.indirect.scatter.add.f32 [tilespmem:s29], [sflag:$0x5], $0x10, s11, s25, $0xb8;
	[tilespmem:$0x1E438] =	vst v63  }
0x153: {  	_ =	swait.ge [sflag:s14], $0x2710  }
0x154: {  	[sflag:s14] =	ssyncset.done $0x0  }
0x155: {  	s11 =	sadd.s32 $0x5178, s15;
	[sflag:s14] =	ssyncadd.s32 $0xFFFFD8F0  }
0x156: {  	[spmem:s3] =	stream.indirect.scatter.add.f32 [tilespmem:s24], [sflag:$0x6], $0x10, s11, s25, $0xb8;
	[tilespmem:$0x1E438] =	vst v63  }
0x157: {  	_ =	swait.ge [sflag:s16], $0x2710  }
0x158: {  	[sflag:s16] =	ssyncset.done $0x0  }
0x159: {  	s11 =	sadd.s32 $0x53F0, s15;
	[sflag:s16] =	ssyncadd.s32 $0xFFFFD8F0  }
0x15a: {  	[spmem:s3] =	stream.indirect.scatter.add.f32 [tilespmem:s6], [sflag:$0x7], $0x10, s11, s25, $0xb8;
	[tilespmem:$0x1E438] =	vst v63  }
0x15b: {  	_ =	swait.ge [sflag:s17], $0x2710  }
0x15c: {  	[sflag:s17] =	ssyncset.done $0x0  }
0x15d: {  	s11 =	sadd.s32 $0x5668, s15;
	[sflag:s17] =	ssyncadd.s32 $0xFFFFD8F0  }
0x15e: {  	[spmem:s3] =	stream.indirect.scatter.add.f32 [tilespmem:s8], [sflag:$0x8], $0x10, s11, s25, $0xb8;
	[tilespmem:$0x1E438] =	vst v63  }
0x15f: {  	_ =	swait.ge [sflag:s30], $0x2710  }
0x160: {  	[sflag:s30] =	ssyncset.done $0x0  }
0x161: {  	[sflag:s30] =	ssyncadd.s32 $0xFFFFD8F0  }
0x162: {  	_ =	swait.ge [sflag:s31], $0x2710  }
0x163: {  	[sflag:s31] =	ssyncset.done $0x0  }
0x164: {  	[sflag:s31] =	ssyncadd.s32 $0xFFFFD8F0  }
.Ltmp2:
0x165: {  	_ =	swait.ge [sflag:s0], $0x2710;
	(pc) =	sbr.rel @p1 .LBB2_6-.Ltmp2, $4  }
0x166: {  	[sflag:s0] =	ssyncset.done $0x0  }
0x167: {  	[sflag:s0] =	ssyncadd.s32 $0xFFFFD8F0  }
0x168: {  	_ =	swait.ge [sflag:s1], $0x2710  }
0x169: {  	s11 =	smov.u32 s12;
	[sflag:s1] =	ssyncset.done $0x0  }
0x16a: {  	s7 =	sshra.s32 s7, $0x2;
	[sflag:s1] =	ssyncadd.s32 $0xFFFFD8F0  }
0x16b: {  	[tilespmem:s29], [sflag:$0x1] =	stream.indirect.gather [spmem:s4], $0x10, s7, s25, $0xb8;
	[tilespmem:$0x1E438] =	vst v63  }
0x16c: {  	s11 =	sadd.s32 $0x278, s7  }
0x16d: {  	[tilespmem:s24], [sflag:$0x2] =	stream.indirect.gather [spmem:s4], $0x10, s11, s25, $0xb8;
	[tilespmem:$0x1E438] =	vst v63  }
0x16e: {  	s15 =	sadd.s32 $0x4F0, s7  }
0x16f: {  	[tilespmem:s6], [sflag:$0x3] =	stream.indirect.gather [spmem:s4], $0x10, s15, s25, $0xb8;
	[tilespmem:$0x1E438] =	vst v63  }
0x170: {  	s22 =	sadd.s32 $0x768, s7  }
0x171: {  	[tilespmem:s8], [sflag:$0x4] =	stream.indirect.gather [spmem:s4], $0x10, s22, s25, $0xb8;
	[tilespmem:$0x1E438] =	vst v63  }
0x172: {  	_ =	swait.ge [sflag:s13], $0x2710  }
0x173: {  	[sflag:s13] =	ssyncset.done $0x0  }
0x174: {  	s9 =	sadd.s32 $0x4F00, s7;
	[sflag:s13] =	ssyncadd.s32 $0xFFFFD8F0  }
0x175: {  	[spmem:s3] =	stream.indirect.scatter.add.f32 [tilespmem:s29], [sflag:$0x5], $0x10, s9, s25, $0xb8;
	[tilespmem:$0x1E438] =	vst v63  }
0x176: {  	_ =	swait.ge [sflag:s14], $0x2710  }
0x177: {  	[sflag:s14] =	ssyncset.done $0x0  }
0x178: {  	s10 =	sadd.s32 $0x5178, s7;
	[sflag:s14] =	ssyncadd.s32 $0xFFFFD8F0  }
0x179: {  	[spmem:s3] =	stream.indirect.scatter.add.f32 [tilespmem:s24], [sflag:$0x6], $0x10, s10, s25, $0xb8;
	[tilespmem:$0x1E438] =	vst v63  }
0x17a: {  	_ =	swait.ge [sflag:s16], $0x2710  }
0x17b: {  	[sflag:s16] =	ssyncset.done $0x0  }
0x17c: {  	s12 =	sadd.s32 $0x53F0, s7;
	[sflag:s16] =	ssyncadd.s32 $0xFFFFD8F0  }
0x17d: {  	[spmem:s3] =	stream.indirect.scatter.add.f32 [tilespmem:s6], [sflag:$0x7], $0x10, s12, s25, $0xb8;
	[tilespmem:$0x1E438] =	vst v63  }
0x17e: {  	_ =	swait.ge [sflag:s17], $0x2710  }
0x17f: {  	[sflag:s17] =	ssyncset.done $0x0  }
0x180: {  	s7 =	sadd.s32 $0x5668, s7;
	[sflag:s17] =	ssyncadd.s32 $0xFFFFD8F0  }
0x181: {  	[spmem:s3] =	stream.indirect.scatter.add.f32 [tilespmem:s8], [sflag:$0x8], $0x10, s7, s25, $0xb8;
	[tilespmem:$0x1E438] =	vst v63  }
0x182: {  	_ =	swait.ge [sflag:s30], $0x2710  }
0x183: {  	[sflag:s30] =	ssyncset.done $0x0  }
0x184: {  	[sflag:s30] =	ssyncadd.s32 $0xFFFFD8F0  }
0x185: {  	_ =	swait.ge [sflag:s31], $0x2710  }
0x186: {  	[sflag:s31] =	ssyncset.done $0x0  }
0x187: {  	[sflag:s31] =	ssyncadd.s32 $0xFFFFD8F0  }
0x188: {  	_ =	swait.ge [sflag:s0], $0x2710  }
0x189: {  	[sflag:s0] =	ssyncset.done $0x0  }
0x18a: {  	[sflag:s0] =	ssyncadd.s32 $0xFFFFD8F0  }
0x18b: {  	_ =	swait.ge [sflag:s1], $0x2710  }
0x18c: {  	[sflag:s1] =	ssyncset.done $0x0  }
0x18d: {  	[sflag:s1] =	ssyncadd.s32 $0xFFFFD8F0  }
0x18e: {  	s7 =	simm.s32 $0x16240;
	[bflag:$0x0] =	sbarrier.arrive $0xFFFF  }
0x18f: {  	[tilespmem:s7], [sflag:$0x9] =	stream.linear.gather [spmem:s5], $0x2800, $0x38;
	[tilespmem:$0x1E438] =	vst v63  }
0x190: {  	_ =	swait.ge [sflag:s21], $0x2800  }
0x191: {  	s15 =	simm.s32 $0x0;
	[sflag:s21] =	ssyncset.done $0x0  }
0x192: {  	v0 =	vmov s15;
	s12 =	simm.s32 $0x13A40;
	s10 =	rddreg [dreg:$0xc];
	[sflag:s21] =	ssyncadd.s32 $0xFFFFD800  }
0x193: {  	[tilespmem:s12], [sflag:$0x9] =	stream.linear.gather [hbm4b:s10+s15], $0x2800, $0x38;
	[tilespmem:$0x1E438] =	vst v63  }
0x194: {  	_ =	swait.ge [sflag:s21], $0x2800  }
0x195: {  	[sflag:s21] =	ssyncset.done $0x0  }
0x196: {  	[sflag:s21] =	ssyncadd.s32 $0xFFFFD800  }
0x197: {  	v0 =	vld.idx.msk [tilespmem:v0+s28+$0x0], $0xffff  }
0x198: {  	v1 =	vld [tilespmem:s7+$0x0];
	_ =	sdelay $0x1  }
0x199: {  	v2 =	vld [tilespmem:s12+$0x0];
	_ =	sdelay $0x2  }
0x19a: {  	v1 =	vmul.f32 v1, v0;
	_ =	sdelay $0x1  }
0x19b: {  	s22 =	simm.s32 $0x1;
	v2 =	vsub.f32 v2, v1  }
0x19c: {  	s11 =	simm.s32 $0x2;
	v1 =	vmov s22  }
.LBB2_8:
0x19d: {  	p1 =	sne.s32 s11, $0x27F;
	v2 =	vmax.f32 v2, $0.0e+00  }
0x19e: {  	[tilespmem:s12+$0x0] =	vst v2;
	v0 =	vmul.f32 v2, v0;
	_ =	sdelay $0x1  }
0x19f: {  	[tilespmem:s7+$0x0] =	vst v0  }
0x1a0: {  	s7 =	sadd.s32 $0x10, s7;
	v0 =	vld.idx.msk [tilespmem:v1+s28+$0x0], $0xffff  }
0x1a1: {  	v1 =	vld [tilespmem:s7+$0x0]  }
0x1a2: {  	s12 =	sadd.s32 $0x10, s12  }
0x1a3: {  	v2 =	vld [tilespmem:s12+$0x0];
	_ =	sdelay $0x1  }
.Ltmp3:
0x1a4: {  	(pc) =	sbr.rel @p1 .LBB2_8-.Ltmp3, $3  }
0x1a5: {  	v1 =	vmul.f32 v1, v0;
	_ =	sdelay $0x1  }
0x1a6: {  	v2 =	vsub.f32 v2, v1  }
0x1a7: {  	v1 =	vmov s11;
	s11 =	sadd.s32 $0x1, s11  }
0x1a8: {  	v2 =	vmax.f32 v2, $0.0e+00  }
0x1a9: {  	v0 =	vmul.f32 v2, v0  }
0x1aa: {  	[tilespmem:s12+$0x0] =	vst v2  }
0x1ab: {  	[tilespmem:s7+$0x0] =	vst v0  }
0x1ac: {  	s10 =	sadd.s32 $0x10, s7;
	v0 =	vld.idx.msk [tilespmem:v1+s28+$0x0], $0xffff  }
0x1ad: {  	v63 =	vld [tilespmem:s10+$0x0]  }
0x1ae: {  	s11 =	sadd.s32 $0x10, s12  }
0x1af: {  	v2 =	vld [tilespmem:s11+$0x0];
	_ =	sdelay $0x2  }
0x1b0: {  	v1 =	vmul.f32 v63, v0;
	_ =	sdelay $0x1  }
0x1b1: {  	v1 =	vsub.f32 v2, v1;
	_ =	sdelay $0x1  }
0x1b2: {  	v1 =	vmax.f32 v1, $0.0e+00  }
0x1b3: {  	v0 =	vmul.f32 v1, v0  }
0x1b4: {  	[tilespmem:s11+$0x0] =	vst v1  }
0x1b5: {  	s11 =	rddreg [dreg:$0x11];
	[tilespmem:s10+$0x0] =	vst v0  }
0x1b6: {  	[spmem:s26], [sflag:s11] =	dma.local [hbm:s19], $0x500  }
0x1b7: {  	_ =	swait.ge [sflag:s21], $0x500  }
0x1b8: {  	[sflag:s21] =	ssyncset.done $0x0  }
0x1b9: {  	s12 =	simm.s32 $0x16240;
	[sflag:s21] =	ssyncadd.s32 $0xFFFFFB00  }
0x1ba: {  	[spmem:s20] =	stream.linear.scatter [tilespmem:s12], [sflag:$0x9], $0x2800, $0x38;
	[tilespmem:$0x1E438] =	vst v63  }
0x1bb: {  	_ =	swait.ge [sflag:s21], $0x2800  }
0x1bc: {  	s7 =	simm.s32 @!p0 $0x0;
	[sflag:s21] =	ssyncset.done $0x0  }
0x1bd: {  	s11 =	simm.s32 @!p0 $0x13A40;
	s10 =	rddreg [dreg:$0xd];
	[sflag:s21] =	ssyncadd.s32 $0xFFFFD800  }
0x1be: {  	[hbm4b:s10+s7] =	stream.linear.scatter @!p0 [tilespmem:s11], [sflag:$0x9], $0x2800, $0x38;
	[tilespmem:$0x1E438] =	vst v63  }
0x1bf: {  	s7 =	simm.s32 @!p0 $0x9  }
0x1c0: {  	_ =	swait.ge @!p0 [sflag:s7], $0x2800  }
0x1c1: {  	[sflag:s7] =	ssyncset.done @!p0 $0x0  }
0x1c2: {  	[sflag:s7] =	ssyncadd.s32 @!p0 $0xFFFFD800  }
0x1c3: {  	s15 =	simm.s32 $0x0;
	[bflag:$0x0] =	sbarrier.arrive $0xFFFF  }
0x1c4: {  	[tilespmem:s29], [sflag:$0x1] =	stream.indirect.gather [spmem:s4], $0x10, s15, s25, $0xb8;
	[tilespmem:$0x1E438] =	vst v63  }
0x1c5: {  	s22 =	simm.s32 $0x278  }
0x1c6: {  	[tilespmem:s24], [sflag:$0x2] =	stream.indirect.gather [spmem:s4], $0x10, s22, s25, $0xb8;
	[tilespmem:$0x1E438] =	vst v63  }
0x1c7: {  	s9 =	simm.s32 $0x4F0  }
0x1c8: {  	[tilespmem:s6], [sflag:$0x3] =	stream.indirect.gather [spmem:s4], $0x10, s9, s25, $0xb8;
	[tilespmem:$0x1E438] =	vst v63  }
0x1c9: {  	s10 =	simm.s32 $0x768  }
0x1ca: {  	[tilespmem:s8], [sflag:$0x4] =	stream.indirect.gather [spmem:s4], $0x10, s10, s25, $0xb8;
	[tilespmem:$0x1E438] =	vst v63  }
0x1cb: {  	_ =	swait.ge [sflag:s13], $0x2710  }
0x1cc: {  	[sflag:s13] =	ssyncset.done $0x0  }
0x1cd: {  	s11 =	simm.s32 $0x4F00;
	[sflag:s13] =	ssyncadd.s32 $0xFFFFD8F0  }
0x1ce: {  	[spmem:s3] =	stream.indirect.scatter.add.f32 [tilespmem:s29], [sflag:$0x5], $0x10, s11, s25, $0xb8;
	[tilespmem:$0x1E438] =	vst v63  }
0x1cf: {  	_ =	swait.ge [sflag:s14], $0x2710  }
0x1d0: {  	[sflag:s14] =	ssyncset.done $0x0  }
0x1d1: {  	s12 =	simm.s32 $0x5178;
	[sflag:s14] =	ssyncadd.s32 $0xFFFFD8F0  }
0x1d2: {  	[spmem:s3] =	stream.indirect.scatter.add.f32 [tilespmem:s24], [sflag:$0x6], $0x10, s12, s25, $0xb8;
	[tilespmem:$0x1E438] =	vst v63  }
0x1d3: {  	_ =	swait.ge [sflag:s16], $0x2710  }
0x1d4: {  	[sflag:s16] =	ssyncset.done $0x0  }
0x1d5: {  	s15 =	simm.s32 $0x53F0;
	[sflag:s16] =	ssyncadd.s32 $0xFFFFD8F0  }
0x1d6: {  	[spmem:s3] =	stream.indirect.scatter.add.f32 [tilespmem:s6], [sflag:$0x7], $0x10, s15, s25, $0xb8;
	[tilespmem:$0x1E438] =	vst v63  }
0x1d7: {  	_ =	swait.ge [sflag:s17], $0x2710  }
0x1d8: {  	[sflag:s17] =	ssyncset.done $0x0  }
0x1d9: {  	s22 =	simm.s32 $0x5668;
	[sflag:s17] =	ssyncadd.s32 $0xFFFFD8F0  }
0x1da: {  	[spmem:s3] =	stream.indirect.scatter.add.f32 [tilespmem:s8], [sflag:$0x8], $0x10, s22, s25, $0xb8;
	[tilespmem:$0x1E438] =	vst v63  }
0x1db: {  	_ =	swait.ge [sflag:s30], $0x2710  }
0x1dc: {  	[sflag:s30] =	ssyncset.done $0x0  }
0x1dd: {  	[sflag:s30] =	ssyncadd.s32 $0xFFFFD8F0  }
0x1de: {  	_ =	swait.ge [sflag:s31], $0x2710  }
0x1df: {  	[sflag:s31] =	ssyncset.done $0x0  }
0x1e0: {  	[sflag:s31] =	ssyncadd.s32 $0xFFFFD8F0  }
0x1e1: {  	_ =	swait.ge [sflag:s0], $0x2710  }
0x1e2: {  	[sflag:s0] =	ssyncset.done $0x0  }
0x1e3: {  	[sflag:s0] =	ssyncadd.s32 $0xFFFFD8F0  }
0x1e4: {  	_ =	swait.ge [sflag:s1], $0x2710  }
0x1e5: {  	s7 =	simm.s32 $0x2780;
	s11 =	simm.s32 $0x4F00;
	[sflag:s1] =	ssyncset.done $0x0  }
.LBB2_10:
0x1e6: {  	s15 =	sshra.s32 s7, $0x2  }
0x1e7: {  	[sflag:s1] =	ssyncadd.s32 $0xFFFFD8F0;
	s7 =	smov.u32 s11;
	s12 =	sadd.s32 $0x2780, s11  }
0x1e8: {  	[tilespmem:s29], [sflag:$0x1] =	stream.indirect.gather [spmem:s4], $0x10, s15, s25, $0xb8;
	[tilespmem:$0x1E438] =	vst v63  }
0x1e9: {  	p1 =	sne.s32 s11, $0x11480;
	s11 =	sadd.s32 $0x278, s15  }
0x1ea: {  	[tilespmem:s24], [sflag:$0x2] =	stream.indirect.gather [spmem:s4], $0x10, s11, s25, $0xb8;
	[tilespmem:$0x1E438] =	vst v63  }
0x1eb: {  	s11 =	sadd.s32 $0x4F0, s15  }
0x1ec: {  	[tilespmem:s6], [sflag:$0x3] =	stream.indirect.gather [spmem:s4], $0x10, s11, s25, $0xb8;
	[tilespmem:$0x1E438] =	vst v63  }
0x1ed: {  	s11 =	sadd.s32 $0x768, s15  }
0x1ee: {  	[tilespmem:s8], [sflag:$0x4] =	stream.indirect.gather [spmem:s4], $0x10, s11, s25, $0xb8;
	[tilespmem:$0x1E438] =	vst v63  }
0x1ef: {  	_ =	swait.ge [sflag:s13], $0x2710  }
0x1f0: {  	[sflag:s13] =	ssyncset.done $0x0  }
0x1f1: {  	s11 =	sadd.s32 $0x4F00, s15;
	[sflag:s13] =	ssyncadd.s32 $0xFFFFD8F0  }
0x1f2: {  	[spmem:s3] =	stream.indirect.scatter.add.f32 [tilespmem:s29], [sflag:$0x5], $0x10, s11, s25, $0xb8;
	[tilespmem:$0x1E438] =	vst v63  }
0x1f3: {  	_ =	swait.ge [sflag:s14], $0x2710  }
0x1f4: {  	[sflag:s14] =	ssyncset.done $0x0  }
0x1f5: {  	s11 =	sadd.s32 $0x5178, s15;
	[sflag:s14] =	ssyncadd.s32 $0xFFFFD8F0  }
0x1f6: {  	[spmem:s3] =	stream.indirect.scatter.add.f32 [tilespmem:s24], [sflag:$0x6], $0x10, s11, s25, $0xb8;
	[tilespmem:$0x1E438] =	vst v63  }
0x1f7: {  	_ =	swait.ge [sflag:s16], $0x2710  }
0x1f8: {  	[sflag:s16] =	ssyncset.done $0x0  }
0x1f9: {  	s11 =	sadd.s32 $0x53F0, s15;
	[sflag:s16] =	ssyncadd.s32 $0xFFFFD8F0  }
0x1fa: {  	[spmem:s3] =	stream.indirect.scatter.add.f32 [tilespmem:s6], [sflag:$0x7], $0x10, s11, s25, $0xb8;
	[tilespmem:$0x1E438] =	vst v63  }
0x1fb: {  	_ =	swait.ge [sflag:s17], $0x2710  }
0x1fc: {  	[sflag:s17] =	ssyncset.done $0x0  }
0x1fd: {  	s11 =	sadd.s32 $0x5668, s15;
	[sflag:s17] =	ssyncadd.s32 $0xFFFFD8F0  }
0x1fe: {  	[spmem:s3] =	stream.indirect.scatter.add.f32 [tilespmem:s8], [sflag:$0x8], $0x10, s11, s25, $0xb8;
	[tilespmem:$0x1E438] =	vst v63  }
0x1ff: {  	_ =	swait.ge [sflag:s30], $0x2710  }
0x200: {  	[sflag:s30] =	ssyncset.done $0x0  }
0x201: {  	[sflag:s30] =	ssyncadd.s32 $0xFFFFD8F0  }
0x202: {  	_ =	swait.ge [sflag:s31], $0x2710  }
0x203: {  	[sflag:s31] =	ssyncset.done $0x0  }
0x204: {  	[sflag:s31] =	ssyncadd.s32 $0xFFFFD8F0  }
.Ltmp4:
0x205: {  	_ =	swait.ge [sflag:s0], $0x2710;
	(pc) =	sbr.rel @p1 .LBB2_10-.Ltmp4, $4  }
0x206: {  	[sflag:s0] =	ssyncset.done $0x0  }
0x207: {  	[sflag:s0] =	ssyncadd.s32 $0xFFFFD8F0  }
0x208: {  	_ =	swait.ge [sflag:s1], $0x2710  }
0x209: {  	s11 =	smov.u32 s12;
	[sflag:s1] =	ssyncset.done $0x0  }
0x20a: {  	s7 =	sshra.s32 s7, $0x2;
	[sflag:s1] =	ssyncadd.s32 $0xFFFFD8F0  }
0x20b: {  	[tilespmem:s29], [sflag:$0x1] =	stream.indirect.gather [spmem:s4], $0x10, s7, s25, $0xb8;
	[tilespmem:$0x1E438] =	vst v63  }
0x20c: {  	s11 =	sadd.s32 $0x278, s7  }
0x20d: {  	[tilespmem:s24], [sflag:$0x2] =	stream.indirect.gather [spmem:s4], $0x10, s11, s25, $0xb8;
	[tilespmem:$0x1E438] =	vst v63  }
0x20e: {  	s15 =	sadd.s32 $0x4F0, s7  }
0x20f: {  	[tilespmem:s6], [sflag:$0x3] =	stream.indirect.gather [spmem:s4], $0x10, s15, s25, $0xb8;
	[tilespmem:$0x1E438] =	vst v63  }
0x210: {  	s22 =	sadd.s32 $0x768, s7  }
0x211: {  	[tilespmem:s8], [sflag:$0x4] =	stream.indirect.gather [spmem:s4], $0x10, s22, s25, $0xb8;
	[tilespmem:$0x1E438] =	vst v63  }
0x212: {  	_ =	swait.ge [sflag:s13], $0x2710  }
0x213: {  	[sflag:s13] =	ssyncset.done $0x0  }
0x214: {  	s9 =	sadd.s32 $0x4F00, s7;
	[sflag:s13] =	ssyncadd.s32 $0xFFFFD8F0  }
0x215: {  	[spmem:s3] =	stream.indirect.scatter.add.f32 [tilespmem:s29], [sflag:$0x5], $0x10, s9, s25, $0xb8;
	[tilespmem:$0x1E438] =	vst v63  }
0x216: {  	_ =	swait.ge [sflag:s14], $0x2710  }
0x217: {  	[sflag:s14] =	ssyncset.done $0x0  }
0x218: {  	s10 =	sadd.s32 $0x5178, s7;
	[sflag:s14] =	ssyncadd.s32 $0xFFFFD8F0  }
0x219: {  	[spmem:s3] =	stream.indirect.scatter.add.f32 [tilespmem:s24], [sflag:$0x6], $0x10, s10, s25, $0xb8;
	[tilespmem:$0x1E438] =	vst v63  }
0x21a: {  	_ =	swait.ge [sflag:s16], $0x2710  }
0x21b: {  	[sflag:s16] =	ssyncset.done $0x0  }
0x21c: {  	s12 =	sadd.s32 $0x53F0, s7;
	[sflag:s16] =	ssyncadd.s32 $0xFFFFD8F0  }
0x21d: {  	[spmem:s3] =	stream.indirect.scatter.add.f32 [tilespmem:s6], [sflag:$0x7], $0x10, s12, s25, $0xb8;
	[tilespmem:$0x1E438] =	vst v63  }
0x21e: {  	_ =	swait.ge [sflag:s17], $0x2710  }
0x21f: {  	[sflag:s17] =	ssyncset.done $0x0  }
0x220: {  	s7 =	sadd.s32 $0x5668, s7;
	[sflag:s17] =	ssyncadd.s32 $0xFFFFD8F0  }
0x221: {  	[spmem:s3] =	stream.indirect.scatter.add.f32 [tilespmem:s8], [sflag:$0x8], $0x10, s7, s25, $0xb8;
	[tilespmem:$0x1E438] =	vst v63  }
0x222: {  	_ =	swait.ge [sflag:s30], $0x2710  }
0x223: {  	[sflag:s30] =	ssyncset.done $0x0  }
0x224: {  	[sflag:s30] =	ssyncadd.s32 $0xFFFFD8F0  }
0x225: {  	_ =	swait.ge [sflag:s31], $0x2710  }
0x226: {  	[sflag:s31] =	ssyncset.done $0x0  }
0x227: {  	[sflag:s31] =	ssyncadd.s32 $0xFFFFD8F0  }
0x228: {  	_ =	swait.ge [sflag:s0], $0x2710  }
0x229: {  	[sflag:s0] =	ssyncset.done $0x0  }
0x22a: {  	[sflag:s0] =	ssyncadd.s32 $0xFFFFD8F0  }
0x22b: {  	_ =	swait.ge [sflag:s1], $0x2710  }
0x22c: {  	[sflag:s1] =	ssyncset.done $0x0  }
0x22d: {  	s15 =	simm.s32 $0x0;
	[sflag:s1] =	ssyncadd.s32 $0xFFFFD8F0  }
0x22e: {  	v0 =	vmov s15;
	s7 =	simm.s32 $0x16240;
	[bflag:$0x0] =	sbarrier.arrive $0xFFFF  }
0x22f: {  	[tilespmem:s7], [sflag:$0x9] =	stream.linear.gather [spmem:s5], $0x2800, $0x38;
	[tilespmem:$0x1E438] =	vst v63  }
0x230: {  	_ =	swait.ge [sflag:s21], $0x2800  }
0x231: {  	[sflag:s21] =	ssyncset.done $0x0  }
0x232: {  	[sflag:s21] =	ssyncadd.s32 $0xFFFFD800  }
0x233: {  	v1 =	vld.idx.msk [tilespmem:v0+s28+$0x0], $0xffff  }
0x234: {  	v2 =	vld [tilespmem:s7+$0x0];
	_ =	sdelay $0x3  }
0x235: {  	s22 =	simm.s32 $0x1  }
0x236: {  	s11 =	simm.s32 $0x2;
	v0 =	vmov s22;
	v1 =	vmul.f32 v2, v1  }
.LBB2_12:
0x237: {  	p1 =	sne.s32 s11, $0x27F  }
0x238: {  	v1 =	vsub.f32 $0.0e+00, v1;
	_ =	sdelay $0x1  }
0x239: {  	[tilespmem:s7+$0x0] =	vst v1  }
0x23a: {  	s7 =	sadd.s32 $0x10, s7;
	v1 =	vld.idx.msk [tilespmem:v0+s28+$0x0], $0xffff  }
0x23b: {  	v2 =	vld [tilespmem:s7+$0x0]  }
.Ltmp5:
0x23c: {  	(pc) =	sbr.rel @p1 .LBB2_12-.Ltmp5, $2  }
0x23d: {  	_ =	sdelay $0x2  }
0x23e: {  	v0 =	vmov s11;
	s11 =	sadd.s32 $0x1, s11;
	v1 =	vmul.f32 v2, v1  }
0x23f: {  	_ = 	snop  }
0x240: {  	v1 =	vsub.f32 $0.0e+00, v1;
	_ =	sdelay $0x1  }
0x241: {  	[tilespmem:s7+$0x0] =	vst v1  }
0x242: {  	s15 =	sadd.s32 $0x10, s7;
	v0 =	vld.idx.msk [tilespmem:v0+s28+$0x0], $0xffff  }
0x243: {  	v1 =	vld [tilespmem:s15+$0x0];
	_ =	sdelay $0x4  }
0x244: {  	v0 =	vmul.f32 v1, v0;
	_ =	sdelay $0x1  }
0x245: {  	v0 =	vsub.f32 $0.0e+00, v0;
	_ =	sdelay $0x1  }
0x246: {  	s11 =	simm.s32 @!p0 $0x16240;
	s10 =	rddreg [dreg:$0xe];
	s7 =	simm.s32 @!p0 $0x0;
	[tilespmem:s15+$0x0] =	vst v0  }
0x247: {  	[hbm4b:s10+s7] =	stream.linear.scatter @!p0 [tilespmem:s11], [sflag:$0x9], $0x2800, $0x38;
	[tilespmem:$0x1E438] =	vst v63  }
0x248: {  	s7 =	simm.s32 @!p0 $0x9  }
0x249: {  	_ =	swait.ge @!p0 [sflag:s7], $0x2800  }
0x24a: {  	s18 =	sadd.s32 $0x1, s18;
	s22 =	rddreg [dreg:$0xf]  }
0x24b: {  	p1 =	sne.s32 s18, s22  }
.Ltmp6:
0x24c: {  	_ = 	snop;
	(pc) =	sbr.rel @p1 .LBB2_1-.Ltmp6, $3  }
0x24d: {  	_ =	sdelay $0x1  }
0x24e: {  	[sflag:s7] =	ssyncset.done @!p0 $0x0  }
0x24f: {  	[sflag:s7] =	ssyncadd.s32 @!p0 $0xFFFFD800  }
0x250: {  	_ =	sfence.sel $0x180000  }
0x251: {  	[bflag:$0x0] =	sbarrier.arrive $0xFFFF  }
0x252: {  	_ =	strace $0x90000047  }
0x253: {  	s0 =	stileid.u32;
	[bflag:$0x2] =	sbarrier.arrive $0xFFFF  }
0x254: {  	p0 =	sne.s32 s0, $0x0;
	s0 =	rddreg [dreg:$0x5]  }
0x255: {  	s0 =	sadd.s32 @!p0 $0x100000, s0  }
0x256: {  	[sflag:s0] =	ssyncadd.tile.s32 @!p0 $0x1;
	_ =	shalt  }
.Lfunc_end2:
_tile_overlayer_lowered:
.L_overlay_start_2:
0x257: {  	(tag) =	ssettag $0x2  }
0x258: {  	s0 =	rddreg [dreg:$0x0];
	s2 =	stileid.u32  }
0x259: {  	s1 =	rddreg [dreg:$0x1];
	p0 =	sne.s32 s2, $0x0  }
0x25a: {  	s3 =	rddreg [dreg:$0x2];
	[bflag:$0x3] =	sbarrier.arrive $0xFFFF;
	s2 =	simm.s32 @!p0 $0x1C09  }
0x25b: {  	[timem:s3], [sflag:s2] =	dma.local @!p0 [hbm:s0], s1  }
0x25c: {  	s0 =	simm.s32 @!p0 $0x9  }
0x25d: {  	_ =	swait.ge @!p0 [sflag:s0], s1  }
0x25e: {  	s1 =	ssub.s32 @!p0 $0x0, s1;
	[sflag:s0] =	ssyncset.done @!p0 $0x0  }
0x25f: {  	[sflag:s0] =	ssyncadd.s32 @!p0 s1  }
0x260: {  	[bflag:$0x3] =	sbarrier.arrive $0xFFFF  }
0x261: {  	_ =	shalt  }

</sc_bundles>
